<compile_context>
chip_gen: v7x
topology: tpu7x:2x2x1
jax: 0.10.2.dev20260603
libtpu: 0.0.44.dev20260713+nightly
codegen_flags: <defaults>
</compile_context>

<pallas_src>
import jax
import jax.numpy as jnp
from jax import lax
from jax.experimental import pallas as pl
from jax.experimental.pallas import tpu as pltpu
from jax.experimental.pallas import tpu_sc as plsc

M, J, I, L, W = 16, 2, 3, 2, 9

_B_G = W * L
_B_T = _B_G + J * L
_B_H = _B_T + J * L
_B_W = _B_H + J * I * L
_B_B = _B_W + L * I


def _pack_body(st, con, gam, hw, tw, tb, o):
    def put(r, v):
        o[r % 8, pl.ds((r // 8) * 16, 16)] = v

    for w in range(W):
        for l in range(L):
            put(w * L + l, jnp.full((16,), st[0, w * L + l], jnp.float32))
    for j in range(J):
        for l in range(L):
            put(_B_G + j * L + l, gam[:, j + 1, l])
            put(_B_T + j * L + l, con[:, j, l])
    for j in range(J):
        for i in range(I):
            for l in range(L):
                put(_B_H + (j * I + i) * L + l, hw[:, j, i, l])
    for l in range(L):
        for i in range(I):
            put(_B_W + l * I + i, tw[:, l, i])
        put(_B_B + l, tb[:, l])


def _body(a_hbm, out_hbm, a_v, o_v):
    @pl.when((lax.axis_index("c") == 0) & (lax.axis_index("s") == 0))
    def _():
        pltpu.sync_copy(a_hbm, a_v)

        def row(r):
            return a_v[r % 8, pl.ds((r // 8) * 16, 16)]

        s = [[row(w * L + l) for l in range(L)] for w in range(W)]
        cap = [jnp.zeros((16,), jnp.float32) for _ in range(I)]
        for j in range(J):
            gam = [row(_B_G + j * L + l) for l in range(L)]
            sig = [1.0 / (1.0 + jnp.exp(-10.0 * (g - 0.5))) for g in gam]
            tem = [row(_B_T + j * L + l) for l in range(L)]
            best_q = None
            sel = [None] * L
            for w in range(W):
                d0 = tem[0] - s[w][0]
                q = sig[0] * (d0 * d0)
                for l in range(1, L):
                    dl = tem[l] - s[w][l]
                    q = q + sig[l] * (dl * dl)
                if best_q is None:
                    best_q = q
                    sel = list(s[w])
                else:
                    take = q < best_q
                    best_q = jnp.where(take, q, best_q)
                    sel = [jnp.where(take, s[w][l], sel[l]) for l in range(L)]
            gs = [jnp.where(g > 0.5, sel[l], 0.0) for l, g in enumerate(gam)]
            for i in range(I):
                for l in range(L):
                    cap[i] = cap[i] + row(_B_H + (j * I + i) * L + l) * gs[l]

        x = jnp.zeros((16,), jnp.float32)
        for l in range(L):
            c = row(_B_B + l)
            for i in range(I):
                c = c + cap[i] * row(_B_W + l * I + i)
            x = x + c * c

        yi = 0x5F3759DF - (plsc.bitcast(x, jnp.int32) >> 1)
        y = plsc.bitcast(yi, jnp.float32)
        for _ in range(3):
            y = y * (1.5 - 0.5 * x * y * y)
        p = x * y

        e = jnp.exp(p - jnp.max(p))
        o_v[...] = e / jnp.sum(e)
        pltpu.sync_copy(o_v, out_hbm)


@jax.jit
def kernel(state, constants, gammas, head_W, tail_W, tail_b):
    f32 = jnp.float32
    packed = pl.pallas_call(
        _pack_body,
        out_shape=jax.ShapeDtypeStruct((8, 128), f32),
    )(state, constants, gammas, head_W, tail_W, tail_b)

    run = pl.kernel(
        _body,
        out_type=jax.ShapeDtypeStruct((M,), f32),
        mesh=plsc.VectorSubcoreMesh(core_axis_name="c", subcore_axis_name="s",
                                    num_cores=1, num_subcores=1),
        scratch_types=[
            pltpu.VMEM((8, 128), f32),
            pltpu.VMEM((M,), f32),
        ],
        compiler_params=pltpu.CompilerParams(needs_layout_passes=False,
                                             skip_device_barrier=True),
    )
    return run(packed)

# --- scband reference (transcript-rebuilt; emitter-appended) ---
"""Pipeline reference for scband-algelogic-network-12455405158468 (READ-ONLY COPY).

The authoritative reference and input builder live on the scoring server;
editing this copy changes nothing except your own understanding.
"""

import jax, jax.numpy as jnp
import numpy as np

M, J, I, L, W = 16, 2, 3, 2, 9

def setup_inputs(seed: int = 0) -> dict:
    key = jax.random.key(seed)
    ks = jax.random.split(key, 6)
    state = jax.random.normal(ks[0], (1, W * L), dtype=jnp.float32)
    constants = jax.random.uniform(ks[1], (M, J + 1, L), minval=-1.0, maxval=1.0, dtype=jnp.float32)
    gammas = jax.random.uniform(ks[2], (M, J + 1, L), minval=0.0, maxval=1.0, dtype=jnp.float32)
    bh = 1.0 / np.sqrt(L)
    head_W = jax.random.uniform(ks[3], (M, J, I, L), minval=-bh, maxval=bh, dtype=jnp.float32)
    bt = 1.0 / np.sqrt(I)
    tail_W = jax.random.uniform(ks[4], (M, L, I), minval=-bt, maxval=bt, dtype=jnp.float32)
    tail_b = jax.random.uniform(ks[5], (M, L), minval=-bt, maxval=bt, dtype=jnp.float32)
    return {"state": state, "constants": constants, "gammas": gammas, "head_W": head_W, "tail_W": tail_W, "tail_b": tail_b}

def reference(state, constants, gammas, head_W, tail_W, tail_b):
    # state -> working memory props [W, L]
    s = state.reshape(-1, W, L)[0]
    # per-rule, per-premise cylindrification factors and templates
    gam = gammas[:, 1:J + 1, :]          # [M, J, L]
    templ = constants[:, :J, :]          # [M, J, L]
    # steep sigmoid (steepness=10) for crisp fuzzy matching
    sig = 1.0 / (1.0 + jnp.exp(-10.0 * (gam - 0.5)))
    # match penalty: sigmoid(gamma) * (template - wm_value)^2, summed over slots
    diff = templ[:, :, None, :] - s[None, None, :, :]   # [M, J, W, L]
    match_q = jnp.sum(sig[:, :, None, :] * diff ** 2, axis=-1)  # [M, J, W]
    # variable capture only when gamma > 0.5 (hard gate, matches torch `if`)
    gate = (gam > 0.5).astype(jnp.float32)              # [M, J, L]
    caps = jnp.einsum('mjp,mjip,wp->mjwi', gate, head_W, s)  # [M, J, W, I]
    # nearest-neighbor retrieval over working memory: argmin of match penalty
    best = jnp.argmin(match_q, axis=-1)                 # [M, J]
    sel = jnp.take_along_axis(caps, best[:, :, None, None], axis=2)[:, :, 0, :]  # [M, J, I]
    captured = jnp.sum(sel, axis=1)                     # [M, I]
    # rule tail (Linear I->L): captured @ tail_W.T + tail_b
    conclusion = jnp.einsum('mi,mli->ml', captured, tail_W) + tail_b  # [M, L]
    P = jnp.sqrt(jnp.sum(conclusion ** 2, axis=-1))     # torch.norm per rule
    action_probs = jax.nn.softmax(P, axis=0)
    return action_probs

if __name__ == "__main__":
    import jax
    _d = setup_inputs()
    print(jax.jit(kernel)(*tuple(_d.values())))

</pallas_src>

<mosaic_0001>
#map = affine_map<(d0, d1) -> (0, 0)>
#map1 = affine_map<(d0, d1) -> (0)>
module attributes {stable_mosaic.version = 14 : i64} {
  func.func @_body(%arg0: i32, %arg1: i32, %arg2: memref<8x128xf32, #tpu.memory_space<hbm>>, %arg3: memref<16xf32, #tpu.memory_space<hbm>>, %arg4: memref<8x128xf32, #tpu.memory_space<vmem>>, %arg5: memref<16xf32, #tpu.memory_space<vmem>>) attributes {dimension_semantics = [#tpu.dimension_semantics<core_parallel>, #tpu.dimension_semantics<subcore_parallel>], iteration_bounds = array<i64: 1, 1>, scalar_prefetch = 0 : i64, scratch_operands = 2 : i64, tpu.core_type = #tpu.core_type<sc_vector_subcore>, window_params = [{transform_indices = #map}, {transform_indices = #map1}]} {
    %eq3A = arith.constant 0 : i32
    %eq3A_0 = arith.cmpi eq, %arg0, %eq3A : i32
    %eq3A_1 = arith.constant 0 : i32
    %eq3A_2 = arith.cmpi eq, %arg1, %eq3A_1 : i32
    %and3A = arith.andi %eq3A_0, %eq3A_2 : i1
    %convert_element_type3A = arith.extui %and3A : i1 to i32
    %cond3A = arith.constant 0 : i32
    %cond3A_3 = arith.cmpi ne, %convert_element_type3A, %cond3A : i32
    scf.if %cond3A_3 {
      "tpu.region"() ({
        %run_scoped3A = tpu.sem_alloc : memref<!tpu.dma_semaphore, #tpu.memory_space<semaphore_mem>>
        tpu.enqueue_dma source(%arg2 : memref<8x128xf32, #tpu.memory_space<hbm>>) target(%arg4 : memref<8x128xf32, #tpu.memory_space<vmem>>) target_semaphore(%run_scoped3A : memref<!tpu.dma_semaphore, #tpu.memory_space<semaphore_mem>>)
        tpu.wait_dma2 semaphore(%run_scoped3A : memref<!tpu.dma_semaphore, #tpu.memory_space<semaphore_mem>>) src(%arg2 : memref<8x128xf32, #tpu.memory_space<hbm>>) dst(%arg4 : memref<8x128xf32, #tpu.memory_space<vmem>>)
        tpu.yield
      }) : () -> ()
      %get3A = arith.constant 0 : i32
      %get3A_4 = arith.index_cast %get3A : i32 to index
      %get3A_5 = arith.constant 0 : index
      %get3A_6 = tpu.vector_load %arg4[%get3A_4, %get3A_5] {strides = array<i32>} : memref<8x128xf32, #tpu.memory_space<vmem>>, vector<16xf32>,
      %get3A_7 = arith.constant 1 : i32
      %get3A_8 = arith.index_cast %get3A_7 : i32 to index
      %get3A_9 = arith.constant 0 : index
      %get3A_10 = tpu.vector_load %arg4[%get3A_8, %get3A_9] {strides = array<i32>} : memref<8x128xf32, #tpu.memory_space<vmem>>, vector<16xf32>,
      %get3A_11 = arith.constant 2 : i32
      %get3A_12 = arith.index_cast %get3A_11 : i32 to index
      %get3A_13 = arith.constant 0 : index
      %get3A_14 = tpu.vector_load %arg4[%get3A_12, %get3A_13] {strides = array<i32>} : memref<8x128xf32, #tpu.memory_space<vmem>>, vector<16xf32>,
      %get3A_15 = arith.constant 3 : i32
      %get3A_16 = arith.index_cast %get3A_15 : i32 to index
      %get3A_17 = arith.constant 0 : index
      %get3A_18 = tpu.vector_load %arg4[%get3A_16, %get3A_17] {strides = array<i32>} : memref<8x128xf32, #tpu.memory_space<vmem>>, vector<16xf32>,
      %get3A_19 = arith.constant 4 : i32
      %get3A_20 = arith.index_cast %get3A_19 : i32 to index
      %get3A_21 = arith.constant 0 : index
      %get3A_22 = tpu.vector_load %arg4[%get3A_20, %get3A_21] {strides = array<i32>} : memref<8x128xf32, #tpu.memory_space<vmem>>, vector<16xf32>,
      %get3A_23 = arith.constant 5 : i32
      %get3A_24 = arith.index_cast %get3A_23 : i32 to index
      %get3A_25 = arith.constant 0 : index
      %get3A_26 = tpu.vector_load %arg4[%get3A_24, %get3A_25] {strides = array<i32>} : memref<8x128xf32, #tpu.memory_space<vmem>>, vector<16xf32>,
      %get3A_27 = arith.constant 6 : i32
      %get3A_28 = arith.index_cast %get3A_27 : i32 to index
      %get3A_29 = arith.constant 0 : index
      %get3A_30 = tpu.vector_load %arg4[%get3A_28, %get3A_29] {strides = array<i32>} : memref<8x128xf32, #tpu.memory_space<vmem>>, vector<16xf32>,
      %get3A_31 = arith.constant 7 : i32
      %get3A_32 = arith.index_cast %get3A_31 : i32 to index
      %get3A_33 = arith.constant 0 : index
      %get3A_34 = tpu.vector_load %arg4[%get3A_32, %get3A_33] {strides = array<i32>} : memref<8x128xf32, #tpu.memory_space<vmem>>, vector<16xf32>,
      %get3A_35 = arith.constant 0 : i32
      %get3A_36 = arith.index_cast %get3A_35 : i32 to index
      %get3A_37 = arith.constant 16 : index
      %get3A_38 = tpu.vector_load %arg4[%get3A_36, %get3A_37] {strides = array<i32>} : memref<8x128xf32, #tpu.memory_space<vmem>>, vector<16xf32>,
      %get3A_39 = arith.constant 1 : i32
      %get3A_40 = arith.index_cast %get3A_39 : i32 to index
      %get3A_41 = arith.constant 16 : index
      %get3A_42 = tpu.vector_load %arg4[%get3A_40, %get3A_41] {strides = array<i32>} : memref<8x128xf32, #tpu.memory_space<vmem>>, vector<16xf32>,
      %get3A_43 = arith.constant 2 : i32
      %get3A_44 = arith.index_cast %get3A_43 : i32 to index
      %get3A_45 = arith.constant 16 : index
      %get3A_46 = tpu.vector_load %arg4[%get3A_44, %get3A_45] {strides = array<i32>} : memref<8x128xf32, #tpu.memory_space<vmem>>, vector<16xf32>,
      %get3A_47 = arith.constant 3 : i32
      %get3A_48 = arith.index_cast %get3A_47 : i32 to index
      %get3A_49 = arith.constant 16 : index
      %get3A_50 = tpu.vector_load %arg4[%get3A_48, %get3A_49] {strides = array<i32>} : memref<8x128xf32, #tpu.memory_space<vmem>>, vector<16xf32>,
      %get3A_51 = arith.constant 4 : i32
      %get3A_52 = arith.index_cast %get3A_51 : i32 to index
      %get3A_53 = arith.constant 16 : index
      %get3A_54 = tpu.vector_load %arg4[%get3A_52, %get3A_53] {strides = array<i32>} : memref<8x128xf32, #tpu.memory_space<vmem>>, vector<16xf32>,
      %get3A_55 = arith.constant 5 : i32
      %get3A_56 = arith.index_cast %get3A_55 : i32 to index
      %get3A_57 = arith.constant 16 : index
      %get3A_58 = tpu.vector_load %arg4[%get3A_56, %get3A_57] {strides = array<i32>} : memref<8x128xf32, #tpu.memory_space<vmem>>, vector<16xf32>,
      %get3A_59 = arith.constant 6 : i32
      %get3A_60 = arith.index_cast %get3A_59 : i32 to index
      %get3A_61 = arith.constant 16 : index
      %get3A_62 = tpu.vector_load %arg4[%get3A_60, %get3A_61] {strides = array<i32>} : memref<8x128xf32, #tpu.memory_space<vmem>>, vector<16xf32>,
      %get3A_63 = arith.constant 7 : i32
      %get3A_64 = arith.index_cast %get3A_63 : i32 to index
      %get3A_65 = arith.constant 16 : index
      %get3A_66 = tpu.vector_load %arg4[%get3A_64, %get3A_65] {strides = array<i32>} : memref<8x128xf32, #tpu.memory_space<vmem>>, vector<16xf32>,
      %get3A_67 = arith.constant 0 : i32
      %get3A_68 = arith.index_cast %get3A_67 : i32 to index
      %get3A_69 = arith.constant 32 : index
      %get3A_70 = tpu.vector_load %arg4[%get3A_68, %get3A_69] {strides = array<i32>} : memref<8x128xf32, #tpu.memory_space<vmem>>, vector<16xf32>,
      %get3A_71 = arith.constant 1 : i32
      %get3A_72 = arith.index_cast %get3A_71 : i32 to index
      %get3A_73 = arith.constant 32 : index
      %get3A_74 = tpu.vector_load %arg4[%get3A_72, %get3A_73] {strides = array<i32>} : memref<8x128xf32, #tpu.memory_space<vmem>>, vector<16xf32>,
      %broadcast_in_dim3A = arith.constant 0.000000e+00 : f32
      %broadcast_in_dim3A_75 = vector.broadcast %broadcast_in_dim3A : f32 to vector<16xf32>
      %broadcast_in_dim3A_76 = arith.constant 0.000000e+00 : f32
      %broadcast_in_dim3A_77 = vector.broadcast %broadcast_in_dim3A_76 : f32 to vector<16xf32>
      %broadcast_in_dim3A_78 = arith.constant 0.000000e+00 : f32
      %broadcast_in_dim3A_79 = vector.broadcast %broadcast_in_dim3A_78 : f32 to vector<16xf32>
      %get3A_80 = arith.constant 2 : i32
      %get3A_81 = arith.index_cast %get3A_80 : i32 to index
      %get3A_82 = arith.constant 32 : index
      %get3A_83 = tpu.vector_load %arg4[%get3A_81, %get3A_82] {strides = array<i32>} : memref<8x128xf32, #tpu.memory_space<vmem>>, vector<16xf32>,
      %get3A_84 = arith.constant 3 : i32
      %get3A_85 = arith.index_cast %get3A_84 : i32 to index
      %get3A_86 = arith.constant 32 : index
      %get3A_87 = tpu.vector_load %arg4[%get3A_85, %get3A_86] {strides = array<i32>} : memref<8x128xf32, #tpu.memory_space<vmem>>, vector<16xf32>,
      %sub3A = arith.constant 5.000000e-01 : f32
      %sub3A_88 = vector.broadcast %sub3A : f32 to vector<16xf32>
      %sub3A_89 = arith.subf %get3A_83, %sub3A_88 : vector<16xf32>
      %mul3A = arith.constant -1.000000e+01 : f32
      %mul3A_90 = vector.broadcast %mul3A : f32 to vector<16xf32>
      %mul3A_91 = arith.mulf %mul3A_90, %sub3A_89 : vector<16xf32>
      %exp3A = math.exp %mul3A_91 : vector<16xf32>
      %add3A = arith.constant 1.000000e+00 : f32
      %add3A_92 = vector.broadcast %add3A : f32 to vector<16xf32>
      %add3A_93 = arith.addf %add3A_92, %exp3A : vector<16xf32>
      %div3A = arith.constant 1.000000e+00 : f32
      %div3A_94 = vector.broadcast %div3A : f32 to vector<16xf32>
      %div3A_95 = arith.divf %div3A_94, %add3A_93 : vector<16xf32>
      %sub3A_96 = arith.constant 5.000000e-01 : f32
      %sub3A_97 = vector.broadcast %sub3A_96 : f32 to vector<16xf32>
      %sub3A_98 = arith.subf %get3A_87, %sub3A_97 : vector<16xf32>
      %mul3A_99 = arith.constant -1.000000e+01 : f32
      %mul3A_100 = vector.broadcast %mul3A_99 : f32 to vector<16xf32>
      %mul3A_101 = arith.mulf %mul3A_100, %sub3A_98 : vector<16xf32>
      %exp3A_102 = math.exp %mul3A_101 : vector<16xf32>
      %add3A_103 = arith.constant 1.000000e+00 : f32
      %add3A_104 = vector.broadcast %add3A_103 : f32 to vector<16xf32>
      %add3A_105 = arith.addf %add3A_104, %exp3A_102 : vector<16xf32>
      %div3A_106 = arith.constant 1.000000e+00 : f32
      %div3A_107 = vector.broadcast %div3A_106 : f32 to vector<16xf32>
      %div3A_108 = arith.divf %div3A_107, %add3A_105 : vector<16xf32>
      %get3A_109 = arith.constant 6 : i32
      %get3A_110 = arith.index_cast %get3A_109 : i32 to index
      %get3A_111 = arith.constant 32 : index
      %get3A_112 = tpu.vector_load %arg4[%get3A_110, %get3A_111] {strides = array<i32>} : memref<8x128xf32, #tpu.memory_space<vmem>>, vector<16xf32>,
      %get3A_113 = arith.constant 7 : i32
      %get3A_114 = arith.index_cast %get3A_113 : i32 to index
      %get3A_115 = arith.constant 32 : index
      %get3A_116 = tpu.vector_load %arg4[%get3A_114, %get3A_115] {strides = array<i32>} : memref<8x128xf32, #tpu.memory_space<vmem>>, vector<16xf32>,
      %sub3A_117 = arith.subf %get3A_112, %get3A_6 : vector<16xf32>
      %mul3A_118 = arith.mulf %sub3A_117, %sub3A_117 : vector<16xf32>
      %mul3A_119 = arith.mulf %div3A_95, %mul3A_118 : vector<16xf32>
      %sub3A_120 = arith.subf %get3A_116, %get3A_10 : vector<16xf32>
      %mul3A_121 = arith.mulf %sub3A_120, %sub3A_120 : vector<16xf32>
      %mul3A_122 = arith.mulf %div3A_108, %mul3A_121 : vector<16xf32>
      %add3A_123 = arith.addf %mul3A_119, %mul3A_122 : vector<16xf32>
      %sub3A_124 = arith.subf %get3A_112, %get3A_14 : vector<16xf32>
      %mul3A_125 = arith.mulf %sub3A_124, %sub3A_124 : vector<16xf32>
      %mul3A_126 = arith.mulf %div3A_95, %mul3A_125 : vector<16xf32>
      %sub3A_127 = arith.subf %get3A_116, %get3A_18 : vector<16xf32>
      %mul3A_128 = arith.mulf %sub3A_127, %sub3A_127 : vector<16xf32>
      %mul3A_129 = arith.mulf %div3A_108, %mul3A_128 : vector<16xf32>
      %add3A_130 = arith.addf %mul3A_126, %mul3A_129 : vector<16xf32>
      %lt3A = arith.cmpf olt, %add3A_130, %add3A_123 : vector<16xf32>
      %select_n3A = arith.select %lt3A, %add3A_130, %add3A_123 : vector<16xi1>, vector<16xf32>
      %select_n3A_131 = arith.select %lt3A, %get3A_14, %get3A_6 : vector<16xi1>, vector<16xf32>
      %select_n3A_132 = arith.select %lt3A, %get3A_18, %get3A_10 : vector<16xi1>, vector<16xf32>
      %sub3A_133 = arith.subf %get3A_112, %get3A_22 : vector<16xf32>
      %mul3A_134 = arith.mulf %sub3A_133, %sub3A_133 : vector<16xf32>
      %mul3A_135 = arith.mulf %div3A_95, %mul3A_134 : vector<16xf32>
      %sub3A_136 = arith.subf %get3A_116, %get3A_26 : vector<16xf32>
      %mul3A_137 = arith.mulf %sub3A_136, %sub3A_136 : vector<16xf32>
      %mul3A_138 = arith.mulf %div3A_108, %mul3A_137 : vector<16xf32>
      %add3A_139 = arith.addf %mul3A_135, %mul3A_138 : vector<16xf32>
      %lt3A_140 = arith.cmpf olt, %add3A_139, %select_n3A : vector<16xf32>
      %select_n3A_141 = arith.select %lt3A_140, %add3A_139, %select_n3A : vector<16xi1>, vector<16xf32>
      %select_n3A_142 = arith.select %lt3A_140, %get3A_22, %select_n3A_131 : vector<16xi1>, vector<16xf32>
      %select_n3A_143 = arith.select %lt3A_140, %get3A_26, %select_n3A_132 : vector<16xi1>, vector<16xf32>
      %sub3A_144 = arith.subf %get3A_112, %get3A_30 : vector<16xf32>
      %mul3A_145 = arith.mulf %sub3A_144, %sub3A_144 : vector<16xf32>
      %mul3A_146 = arith.mulf %div3A_95, %mul3A_145 : vector<16xf32>
      %sub3A_147 = arith.subf %get3A_116, %get3A_34 : vector<16xf32>
      %mul3A_148 = arith.mulf %sub3A_147, %sub3A_147 : vector<16xf32>
      %mul3A_149 = arith.mulf %div3A_108, %mul3A_148 : vector<16xf32>
      %add3A_150 = arith.addf %mul3A_146, %mul3A_149 : vector<16xf32>
      %lt3A_151 = arith.cmpf olt, %add3A_150, %select_n3A_141 : vector<16xf32>
      %select_n3A_152 = arith.select %lt3A_151, %add3A_150, %select_n3A_141 : vector<16xi1>, vector<16xf32>
      %select_n3A_153 = arith.select %lt3A_151, %get3A_30, %select_n3A_142 : vector<16xi1>, vector<16xf32>
      %select_n3A_154 = arith.select %lt3A_151, %get3A_34, %select_n3A_143 : vector<16xi1>, vector<16xf32>
      %sub3A_155 = arith.subf %get3A_112, %get3A_38 : vector<16xf32>
      %mul3A_156 = arith.mulf %sub3A_155, %sub3A_155 : vector<16xf32>
      %mul3A_157 = arith.mulf %div3A_95, %mul3A_156 : vector<16xf32>
      %sub3A_158 = arith.subf %get3A_116, %get3A_42 : vector<16xf32>
      %mul3A_159 = arith.mulf %sub3A_158, %sub3A_158 : vector<16xf32>
      %mul3A_160 = arith.mulf %div3A_108, %mul3A_159 : vector<16xf32>
      %add3A_161 = arith.addf %mul3A_157, %mul3A_160 : vector<16xf32>
      %lt3A_162 = arith.cmpf olt, %add3A_161, %select_n3A_152 : vector<16xf32>
      %select_n3A_163 = arith.select %lt3A_162, %add3A_161, %select_n3A_152 : vector<16xi1>, vector<16xf32>
      %select_n3A_164 = arith.select %lt3A_162, %get3A_38, %select_n3A_153 : vector<16xi1>, vector<16xf32>
      %select_n3A_165 = arith.select %lt3A_162, %get3A_42, %select_n3A_154 : vector<16xi1>, vector<16xf32>
      %sub3A_166 = arith.subf %get3A_112, %get3A_46 : vector<16xf32>
      %mul3A_167 = arith.mulf %sub3A_166, %sub3A_166 : vector<16xf32>
      %mul3A_168 = arith.mulf %div3A_95, %mul3A_167 : vector<16xf32>
      %sub3A_169 = arith.subf %get3A_116, %get3A_50 : vector<16xf32>
      %mul3A_170 = arith.mulf %sub3A_169, %sub3A_169 : vector<16xf32>
      %mul3A_171 = arith.mulf %div3A_108, %mul3A_170 : vector<16xf32>
      %add3A_172 = arith.addf %mul3A_168, %mul3A_171 : vector<16xf32>
      %lt3A_173 = arith.cmpf olt, %add3A_172, %select_n3A_163 : vector<16xf32>
      %select_n3A_174 = arith.select %lt3A_173, %add3A_172, %select_n3A_163 : vector<16xi1>, vector<16xf32>
      %select_n3A_175 = arith.select %lt3A_173, %get3A_46, %select_n3A_164 : vector<16xi1>, vector<16xf32>
      %select_n3A_176 = arith.select %lt3A_173, %get3A_50, %select_n3A_165 : vector<16xi1>, vector<16xf32>
      %sub3A_177 = arith.subf %get3A_112, %get3A_54 : vector<16xf32>
      %mul3A_178 = arith.mulf %sub3A_177, %sub3A_177 : vector<16xf32>
      %mul3A_179 = arith.mulf %div3A_95, %mul3A_178 : vector<16xf32>
      %sub3A_180 = arith.subf %get3A_116, %get3A_58 : vector<16xf32>
      %mul3A_181 = arith.mulf %sub3A_180, %sub3A_180 : vector<16xf32>
      %mul3A_182 = arith.mulf %div3A_108, %mul3A_181 : vector<16xf32>
      %add3A_183 = arith.addf %mul3A_179, %mul3A_182 : vector<16xf32>
      %lt3A_184 = arith.cmpf olt, %add3A_183, %select_n3A_174 : vector<16xf32>
      %select_n3A_185 = arith.select %lt3A_184, %add3A_183, %select_n3A_174 : vector<16xi1>, vector<16xf32>
      %select_n3A_186 = arith.select %lt3A_184, %get3A_54, %select_n3A_175 : vector<16xi1>, vector<16xf32>
      %select_n3A_187 = arith.select %lt3A_184, %get3A_58, %select_n3A_176 : vector<16xi1>, vector<16xf32>
      %sub3A_188 = arith.subf %get3A_112, %get3A_62 : vector<16xf32>
      %mul3A_189 = arith.mulf %sub3A_188, %sub3A_188 : vector<16xf32>
      %mul3A_190 = arith.mulf %div3A_95, %mul3A_189 : vector<16xf32>
      %sub3A_191 = arith.subf %get3A_116, %get3A_66 : vector<16xf32>
      %mul3A_192 = arith.mulf %sub3A_191, %sub3A_191 : vector<16xf32>
      %mul3A_193 = arith.mulf %div3A_108, %mul3A_192 : vector<16xf32>
      %add3A_194 = arith.addf %mul3A_190, %mul3A_193 : vector<16xf32>
      %lt3A_195 = arith.cmpf olt, %add3A_194, %select_n3A_185 : vector<16xf32>
      %select_n3A_196 = arith.select %lt3A_195, %add3A_194, %select_n3A_185 : vector<16xi1>, vector<16xf32>
      %select_n3A_197 = arith.select %lt3A_195, %get3A_62, %select_n3A_186 : vector<16xi1>, vector<16xf32>
      %select_n3A_198 = arith.select %lt3A_195, %get3A_66, %select_n3A_187 : vector<16xi1>, vector<16xf32>
      %sub3A_199 = arith.subf %get3A_112, %get3A_70 : vector<16xf32>
      %mul3A_200 = arith.mulf %sub3A_199, %sub3A_199 : vector<16xf32>
      %mul3A_201 = arith.mulf %div3A_95, %mul3A_200 : vector<16xf32>
      %sub3A_202 = arith.subf %get3A_116, %get3A_74 : vector<16xf32>
      %mul3A_203 = arith.mulf %sub3A_202, %sub3A_202 : vector<16xf32>
      %mul3A_204 = arith.mulf %div3A_108, %mul3A_203 : vector<16xf32>
      %add3A_205 = arith.addf %mul3A_201, %mul3A_204 : vector<16xf32>
      %lt3A_206 = arith.cmpf olt, %add3A_205, %select_n3A_196 : vector<16xf32>
      %select_n3A_207 = arith.select %lt3A_206, %add3A_205, %select_n3A_196 : vector<16xi1>, vector<16xf32>
      %select_n3A_208 = arith.select %lt3A_206, %get3A_70, %select_n3A_197 : vector<16xi1>, vector<16xf32>
      %select_n3A_209 = arith.select %lt3A_206, %get3A_74, %select_n3A_198 : vector<16xi1>, vector<16xf32>
      %gt3A = arith.constant 5.000000e-01 : f32
      %gt3A_210 = vector.broadcast %gt3A : f32 to vector<16xf32>
      %gt3A_211 = arith.cmpf ogt, %get3A_83, %gt3A_210 : vector<16xf32>
      %jit3A = arith.constant 0.000000e+00 : f32
      %broadcast_in_dim3A_212 = vector.broadcast %jit3A : f32 to vector<16xf32>
      %select_n3A_213 = arith.select %gt3A_211, %select_n3A_208, %broadcast_in_dim3A_212 : vector<16xi1>, vector<16xf32>
      %gt3A_214 = arith.constant 5.000000e-01 : f32
      %gt3A_215 = vector.broadcast %gt3A_214 : f32 to vector<16xf32>
      %gt3A_216 = arith.cmpf ogt, %get3A_87, %gt3A_215 : vector<16xf32>
      %jit3A_217 = arith.constant 0.000000e+00 : f32
      %broadcast_in_dim3A_218 = vector.broadcast %jit3A_217 : f32 to vector<16xf32>
      %select_n3A_219 = arith.select %gt3A_216, %select_n3A_209, %broadcast_in_dim3A_218 : vector<16xi1>, vector<16xf32>
      %get3A_220 = arith.constant 2 : i32
      %get3A_221 = arith.index_cast %get3A_220 : i32 to index
      %get3A_222 = arith.constant 48 : index
      %get3A_223 = tpu.vector_load %arg4[%get3A_221, %get3A_222] {strides = array<i32>} : memref<8x128xf32, #tpu.memory_space<vmem>>, vector<16xf32>,
      %mul3A_224 = arith.mulf %get3A_223, %select_n3A_213 : vector<16xf32>
      %add3A_225 = arith.addf %broadcast_in_dim3A_75, %mul3A_224 : vector<16xf32>
      %get3A_226 = arith.constant 3 : i32
      %get3A_227 = arith.index_cast %get3A_226 : i32 to index
      %get3A_228 = arith.constant 48 : index
      %get3A_229 = tpu.vector_load %arg4[%get3A_227, %get3A_228] {strides = array<i32>} : memref<8x128xf32, #tpu.memory_space<vmem>>, vector<16xf32>,
      %mul3A_230 = arith.mulf %get3A_229, %select_n3A_219 : vector<16xf32>
      %add3A_231 = arith.addf %add3A_225, %mul3A_230 : vector<16xf32>
      %get3A_232 = arith.constant 4 : i32
      %get3A_233 = arith.index_cast %get3A_232 : i32 to index
      %get3A_234 = arith.constant 48 : index
      %get3A_235 = tpu.vector_load %arg4[%get3A_233, %get3A_234] {strides = array<i32>} : memref<8x128xf32, #tpu.memory_space<vmem>>, vector<16xf32>,
      %mul3A_236 = arith.mulf %get3A_235, %select_n3A_213 : vector<16xf32>
      %add3A_237 = arith.addf %broadcast_in_dim3A_77, %mul3A_236 : vector<16xf32>
      %get3A_238 = arith.constant 5 : i32
      %get3A_239 = arith.index_cast %get3A_238 : i32 to index
      %get3A_240 = arith.constant 48 : index
      %get3A_241 = tpu.vector_load %arg4[%get3A_239, %get3A_240] {strides = array<i32>} : memref<8x128xf32, #tpu.memory_space<vmem>>, vector<16xf32>,
      %mul3A_242 = arith.mulf %get3A_241, %select_n3A_219 : vector<16xf32>
      %add3A_243 = arith.addf %add3A_237, %mul3A_242 : vector<16xf32>
      %get3A_244 = arith.constant 6 : i32
      %get3A_245 = arith.index_cast %get3A_244 : i32 to index
      %get3A_246 = arith.constant 48 : index
      %get3A_247 = tpu.vector_load %arg4[%get3A_245, %get3A_246] {strides = array<i32>} : memref<8x128xf32, #tpu.memory_space<vmem>>, vector<16xf32>,
      %mul3A_248 = arith.mulf %get3A_247, %select_n3A_213 : vector<16xf32>
      %add3A_249 = arith.addf %broadcast_in_dim3A_79, %mul3A_248 : vector<16xf32>
      %get3A_250 = arith.constant 7 : i32
      %get3A_251 = arith.index_cast %get3A_250 : i32 to index
      %get3A_252 = arith.constant 48 : index
      %get3A_253 = tpu.vector_load %arg4[%get3A_251, %get3A_252] {strides = array<i32>} : memref<8x128xf32, #tpu.memory_space<vmem>>, vector<16xf32>,
      %mul3A_254 = arith.mulf %get3A_253, %select_n3A_219 : vector<16xf32>
      %add3A_255 = arith.addf %add3A_249, %mul3A_254 : vector<16xf32>
      %get3A_256 = arith.constant 4 : i32
      %get3A_257 = arith.index_cast %get3A_256 : i32 to index
      %get3A_258 = arith.constant 32 : index
      %get3A_259 = tpu.vector_load %arg4[%get3A_257, %get3A_258] {strides = array<i32>} : memref<8x128xf32, #tpu.memory_space<vmem>>, vector<16xf32>,
      %get3A_260 = arith.constant 5 : i32
      %get3A_261 = arith.index_cast %get3A_260 : i32 to index
      %get3A_262 = arith.constant 32 : index
      %get3A_263 = tpu.vector_load %arg4[%get3A_261, %get3A_262] {strides = array<i32>} : memref<8x128xf32, #tpu.memory_space<vmem>>, vector<16xf32>,
      %sub3A_264 = arith.constant 5.000000e-01 : f32
      %sub3A_265 = vector.broadcast %sub3A_264 : f32 to vector<16xf32>
      %sub3A_266 = arith.subf %get3A_259, %sub3A_265 : vector<16xf32>
      %mul3A_267 = arith.constant -1.000000e+01 : f32
      %mul3A_268 = vector.broadcast %mul3A_267 : f32 to vector<16xf32>
      %mul3A_269 = arith.mulf %mul3A_268, %sub3A_266 : vector<16xf32>
      %exp3A_270 = math.exp %mul3A_269 : vector<16xf32>
      %add3A_271 = arith.constant 1.000000e+00 : f32
      %add3A_272 = vector.broadcast %add3A_271 : f32 to vector<16xf32>
      %add3A_273 = arith.addf %add3A_272, %exp3A_270 : vector<16xf32>
      %div3A_274 = arith.constant 1.000000e+00 : f32
      %div3A_275 = vector.broadcast %div3A_274 : f32 to vector<16xf32>
      %div3A_276 = arith.divf %div3A_275, %add3A_273 : vector<16xf32>
      %sub3A_277 = arith.constant 5.000000e-01 : f32
      %sub3A_278 = vector.broadcast %sub3A_277 : f32 to vector<16xf32>
      %sub3A_279 = arith.subf %get3A_263, %sub3A_278 : vector<16xf32>
      %mul3A_280 = arith.constant -1.000000e+01 : f32
      %mul3A_281 = vector.broadcast %mul3A_280 : f32 to vector<16xf32>
      %mul3A_282 = arith.mulf %mul3A_281, %sub3A_279 : vector<16xf32>
      %exp3A_283 = math.exp %mul3A_282 : vector<16xf32>
      %add3A_284 = arith.constant 1.000000e+00 : f32
      %add3A_285 = vector.broadcast %add3A_284 : f32 to vector<16xf32>
      %add3A_286 = arith.addf %add3A_285, %exp3A_283 : vector<16xf32>
      %div3A_287 = arith.constant 1.000000e+00 : f32
      %div3A_288 = vector.broadcast %div3A_287 : f32 to vector<16xf32>
      %div3A_289 = arith.divf %div3A_288, %add3A_286 : vector<16xf32>
      %get3A_290 = arith.constant 0 : i32
      %get3A_291 = arith.index_cast %get3A_290 : i32 to index
      %get3A_292 = arith.constant 48 : index
      %get3A_293 = tpu.vector_load %arg4[%get3A_291, %get3A_292] {strides = array<i32>} : memref<8x128xf32, #tpu.memory_space<vmem>>, vector<16xf32>,
      %get3A_294 = arith.constant 1 : i32
      %get3A_295 = arith.index_cast %get3A_294 : i32 to index
      %get3A_296 = arith.constant 48 : index
      %get3A_297 = tpu.vector_load %arg4[%get3A_295, %get3A_296] {strides = array<i32>} : memref<8x128xf32, #tpu.memory_space<vmem>>, vector<16xf32>,
      %sub3A_298 = arith.subf %get3A_293, %get3A_6 : vector<16xf32>
      %mul3A_299 = arith.mulf %sub3A_298, %sub3A_298 : vector<16xf32>
      %mul3A_300 = arith.mulf %div3A_276, %mul3A_299 : vector<16xf32>
      %sub3A_301 = arith.subf %get3A_297, %get3A_10 : vector<16xf32>
      %mul3A_302 = arith.mulf %sub3A_301, %sub3A_301 : vector<16xf32>
      %mul3A_303 = arith.mulf %div3A_289, %mul3A_302 : vector<16xf32>
      %add3A_304 = arith.addf %mul3A_300, %mul3A_303 : vector<16xf32>
      %sub3A_305 = arith.subf %get3A_293, %get3A_14 : vector<16xf32>
      %mul3A_306 = arith.mulf %sub3A_305, %sub3A_305 : vector<16xf32>
      %mul3A_307 = arith.mulf %div3A_276, %mul3A_306 : vector<16xf32>
      %sub3A_308 = arith.subf %get3A_297, %get3A_18 : vector<16xf32>
      %mul3A_309 = arith.mulf %sub3A_308, %sub3A_308 : vector<16xf32>
      %mul3A_310 = arith.mulf %div3A_289, %mul3A_309 : vector<16xf32>
      %add3A_311 = arith.addf %mul3A_307, %mul3A_310 : vector<16xf32>
      %lt3A_312 = arith.cmpf olt, %add3A_311, %add3A_304 : vector<16xf32>
      %select_n3A_313 = arith.select %lt3A_312, %add3A_311, %add3A_304 : vector<16xi1>, vector<16xf32>
      %select_n3A_314 = arith.select %lt3A_312, %get3A_14, %get3A_6 : vector<16xi1>, vector<16xf32>
      %select_n3A_315 = arith.select %lt3A_312, %get3A_18, %get3A_10 : vector<16xi1>, vector<16xf32>
      %sub3A_316 = arith.subf %get3A_293, %get3A_22 : vector<16xf32>
      %mul3A_317 = arith.mulf %sub3A_316, %sub3A_316 : vector<16xf32>
      %mul3A_318 = arith.mulf %div3A_276, %mul3A_317 : vector<16xf32>
      %sub3A_319 = arith.subf %get3A_297, %get3A_26 : vector<16xf32>
      %mul3A_320 = arith.mulf %sub3A_319, %sub3A_319 : vector<16xf32>
      %mul3A_321 = arith.mulf %div3A_289, %mul3A_320 : vector<16xf32>
      %add3A_322 = arith.addf %mul3A_318, %mul3A_321 : vector<16xf32>
      %lt3A_323 = arith.cmpf olt, %add3A_322, %select_n3A_313 : vector<16xf32>
      %select_n3A_324 = arith.select %lt3A_323, %add3A_322, %select_n3A_313 : vector<16xi1>, vector<16xf32>
      %select_n3A_325 = arith.select %lt3A_323, %get3A_22, %select_n3A_314 : vector<16xi1>, vector<16xf32>
      %select_n3A_326 = arith.select %lt3A_323, %get3A_26, %select_n3A_315 : vector<16xi1>, vector<16xf32>
      %sub3A_327 = arith.subf %get3A_293, %get3A_30 : vector<16xf32>
      %mul3A_328 = arith.mulf %sub3A_327, %sub3A_327 : vector<16xf32>
      %mul3A_329 = arith.mulf %div3A_276, %mul3A_328 : vector<16xf32>
      %sub3A_330 = arith.subf %get3A_297, %get3A_34 : vector<16xf32>
      %mul3A_331 = arith.mulf %sub3A_330, %sub3A_330 : vector<16xf32>
      %mul3A_332 = arith.mulf %div3A_289, %mul3A_331 : vector<16xf32>
      %add3A_333 = arith.addf %mul3A_329, %mul3A_332 : vector<16xf32>
      %lt3A_334 = arith.cmpf olt, %add3A_333, %select_n3A_324 : vector<16xf32>
      %select_n3A_335 = arith.select %lt3A_334, %add3A_333, %select_n3A_324 : vector<16xi1>, vector<16xf32>
      %select_n3A_336 = arith.select %lt3A_334, %get3A_30, %select_n3A_325 : vector<16xi1>, vector<16xf32>
      %select_n3A_337 = arith.select %lt3A_334, %get3A_34, %select_n3A_326 : vector<16xi1>, vector<16xf32>
      %sub3A_338 = arith.subf %get3A_293, %get3A_38 : vector<16xf32>
      %mul3A_339 = arith.mulf %sub3A_338, %sub3A_338 : vector<16xf32>
      %mul3A_340 = arith.mulf %div3A_276, %mul3A_339 : vector<16xf32>
      %sub3A_341 = arith.subf %get3A_297, %get3A_42 : vector<16xf32>
      %mul3A_342 = arith.mulf %sub3A_341, %sub3A_341 : vector<16xf32>
      %mul3A_343 = arith.mulf %div3A_289, %mul3A_342 : vector<16xf32>
      %add3A_344 = arith.addf %mul3A_340, %mul3A_343 : vector<16xf32>
      %lt3A_345 = arith.cmpf olt, %add3A_344, %select_n3A_335 : vector<16xf32>
      %select_n3A_346 = arith.select %lt3A_345, %add3A_344, %select_n3A_335 : vector<16xi1>, vector<16xf32>
      %select_n3A_347 = arith.select %lt3A_345, %get3A_38, %select_n3A_336 : vector<16xi1>, vector<16xf32>
      %select_n3A_348 = arith.select %lt3A_345, %get3A_42, %select_n3A_337 : vector<16xi1>, vector<16xf32>
      %sub3A_349 = arith.subf %get3A_293, %get3A_46 : vector<16xf32>
      %mul3A_350 = arith.mulf %sub3A_349, %sub3A_349 : vector<16xf32>
      %mul3A_351 = arith.mulf %div3A_276, %mul3A_350 : vector<16xf32>
      %sub3A_352 = arith.subf %get3A_297, %get3A_50 : vector<16xf32>
      %mul3A_353 = arith.mulf %sub3A_352, %sub3A_352 : vector<16xf32>
      %mul3A_354 = arith.mulf %div3A_289, %mul3A_353 : vector<16xf32>
      %add3A_355 = arith.addf %mul3A_351, %mul3A_354 : vector<16xf32>
      %lt3A_356 = arith.cmpf olt, %add3A_355, %select_n3A_346 : vector<16xf32>
      %select_n3A_357 = arith.select %lt3A_356, %add3A_355, %select_n3A_346 : vector<16xi1>, vector<16xf32>
      %select_n3A_358 = arith.select %lt3A_356, %get3A_46, %select_n3A_347 : vector<16xi1>, vector<16xf32>
      %select_n3A_359 = arith.select %lt3A_356, %get3A_50, %select_n3A_348 : vector<16xi1>, vector<16xf32>
      %sub3A_360 = arith.subf %get3A_293, %get3A_54 : vector<16xf32>
      %mul3A_361 = arith.mulf %sub3A_360, %sub3A_360 : vector<16xf32>
      %mul3A_362 = arith.mulf %div3A_276, %mul3A_361 : vector<16xf32>
      %sub3A_363 = arith.subf %get3A_297, %get3A_58 : vector<16xf32>
      %mul3A_364 = arith.mulf %sub3A_363, %sub3A_363 : vector<16xf32>
      %mul3A_365 = arith.mulf %div3A_289, %mul3A_364 : vector<16xf32>
      %add3A_366 = arith.addf %mul3A_362, %mul3A_365 : vector<16xf32>
      %lt3A_367 = arith.cmpf olt, %add3A_366, %select_n3A_357 : vector<16xf32>
      %select_n3A_368 = arith.select %lt3A_367, %add3A_366, %select_n3A_357 : vector<16xi1>, vector<16xf32>
      %select_n3A_369 = arith.select %lt3A_367, %get3A_54, %select_n3A_358 : vector<16xi1>, vector<16xf32>
      %select_n3A_370 = arith.select %lt3A_367, %get3A_58, %select_n3A_359 : vector<16xi1>, vector<16xf32>
      %sub3A_371 = arith.subf %get3A_293, %get3A_62 : vector<16xf32>
      %mul3A_372 = arith.mulf %sub3A_371, %sub3A_371 : vector<16xf32>
      %mul3A_373 = arith.mulf %div3A_276, %mul3A_372 : vector<16xf32>
      %sub3A_374 = arith.subf %get3A_297, %get3A_66 : vector<16xf32>
      %mul3A_375 = arith.mulf %sub3A_374, %sub3A_374 : vector<16xf32>
      %mul3A_376 = arith.mulf %div3A_289, %mul3A_375 : vector<16xf32>
      %add3A_377 = arith.addf %mul3A_373, %mul3A_376 : vector<16xf32>
      %lt3A_378 = arith.cmpf olt, %add3A_377, %select_n3A_368 : vector<16xf32>
      %select_n3A_379 = arith.select %lt3A_378, %add3A_377, %select_n3A_368 : vector<16xi1>, vector<16xf32>
      %select_n3A_380 = arith.select %lt3A_378, %get3A_62, %select_n3A_369 : vector<16xi1>, vector<16xf32>
      %select_n3A_381 = arith.select %lt3A_378, %get3A_66, %select_n3A_370 : vector<16xi1>, vector<16xf32>
      %sub3A_382 = arith.subf %get3A_293, %get3A_70 : vector<16xf32>
      %mul3A_383 = arith.mulf %sub3A_382, %sub3A_382 : vector<16xf32>
      %mul3A_384 = arith.mulf %div3A_276, %mul3A_383 : vector<16xf32>
      %sub3A_385 = arith.subf %get3A_297, %get3A_74 : vector<16xf32>
      %mul3A_386 = arith.mulf %sub3A_385, %sub3A_385 : vector<16xf32>
      %mul3A_387 = arith.mulf %div3A_289, %mul3A_386 : vector<16xf32>
      %add3A_388 = arith.addf %mul3A_384, %mul3A_387 : vector<16xf32>
      %lt3A_389 = arith.cmpf olt, %add3A_388, %select_n3A_379 : vector<16xf32>
      %select_n3A_390 = arith.select %lt3A_389, %add3A_388, %select_n3A_379 : vector<16xi1>, vector<16xf32>
      %select_n3A_391 = arith.select %lt3A_389, %get3A_70, %select_n3A_380 : vector<16xi1>, vector<16xf32>
      %select_n3A_392 = arith.select %lt3A_389, %get3A_74, %select_n3A_381 : vector<16xi1>, vector<16xf32>
      %gt3A_393 = arith.constant 5.000000e-01 : f32
      %gt3A_394 = vector.broadcast %gt3A_393 : f32 to vector<16xf32>
      %gt3A_395 = arith.cmpf ogt, %get3A_259, %gt3A_394 : vector<16xf32>
      %jit3A_396 = arith.constant 0.000000e+00 : f32
      %broadcast_in_dim3A_397 = vector.broadcast %jit3A_396 : f32 to vector<16xf32>
      %select_n3A_398 = arith.select %gt3A_395, %select_n3A_391, %broadcast_in_dim3A_397 : vector<16xi1>, vector<16xf32>
      %gt3A_399 = arith.constant 5.000000e-01 : f32
      %gt3A_400 = vector.broadcast %gt3A_399 : f32 to vector<16xf32>
      %gt3A_401 = arith.cmpf ogt, %get3A_263, %gt3A_400 : vector<16xf32>
      %jit3A_402 = arith.constant 0.000000e+00 : f32
      %broadcast_in_dim3A_403 = vector.broadcast %jit3A_402 : f32 to vector<16xf32>
      %select_n3A_404 = arith.select %gt3A_401, %select_n3A_392, %broadcast_in_dim3A_403 : vector<16xi1>, vector<16xf32>
      %get3A_405 = arith.constant 0 : i32
      %get3A_406 = arith.index_cast %get3A_405 : i32 to index
      %get3A_407 = arith.constant 64 : index
      %get3A_408 = tpu.vector_load %arg4[%get3A_406, %get3A_407] {strides = array<i32>} : memref<8x128xf32, #tpu.memory_space<vmem>>, vector<16xf32>,
      %mul3A_409 = arith.mulf %get3A_408, %select_n3A_398 : vector<16xf32>
      %add3A_410 = arith.addf %add3A_231, %mul3A_409 : vector<16xf32>
      %get3A_411 = arith.constant 1 : i32
      %get3A_412 = arith.index_cast %get3A_411 : i32 to index
      %get3A_413 = arith.constant 64 : index
      %get3A_414 = tpu.vector_load %arg4[%get3A_412, %get3A_413] {strides = array<i32>} : memref<8x128xf32, #tpu.memory_space<vmem>>, vector<16xf32>,
      %mul3A_415 = arith.mulf %get3A_414, %select_n3A_404 : vector<16xf32>
      %add3A_416 = arith.addf %add3A_410, %mul3A_415 : vector<16xf32>
      %get3A_417 = arith.constant 2 : i32
      %get3A_418 = arith.index_cast %get3A_417 : i32 to index
      %get3A_419 = arith.constant 64 : index
      %get3A_420 = tpu.vector_load %arg4[%get3A_418, %get3A_419] {strides = array<i32>} : memref<8x128xf32, #tpu.memory_space<vmem>>, vector<16xf32>,
      %mul3A_421 = arith.mulf %get3A_420, %select_n3A_398 : vector<16xf32>
      %add3A_422 = arith.addf %add3A_243, %mul3A_421 : vector<16xf32>
      %get3A_423 = arith.constant 3 : i32
      %get3A_424 = arith.index_cast %get3A_423 : i32 to index
      %get3A_425 = arith.constant 64 : index
      %get3A_426 = tpu.vector_load %arg4[%get3A_424, %get3A_425] {strides = array<i32>} : memref<8x128xf32, #tpu.memory_space<vmem>>, vector<16xf32>,
      %mul3A_427 = arith.mulf %get3A_426, %select_n3A_404 : vector<16xf32>
      %add3A_428 = arith.addf %add3A_422, %mul3A_427 : vector<16xf32>
      %get3A_429 = arith.constant 4 : i32
      %get3A_430 = arith.index_cast %get3A_429 : i32 to index
      %get3A_431 = arith.constant 64 : index
      %get3A_432 = tpu.vector_load %arg4[%get3A_430, %get3A_431] {strides = array<i32>} : memref<8x128xf32, #tpu.memory_space<vmem>>, vector<16xf32>,
      %mul3A_433 = arith.mulf %get3A_432, %select_n3A_398 : vector<16xf32>
      %add3A_434 = arith.addf %add3A_255, %mul3A_433 : vector<16xf32>
      %get3A_435 = arith.constant 5 : i32
      %get3A_436 = arith.index_cast %get3A_435 : i32 to index
      %get3A_437 = arith.constant 64 : index
      %get3A_438 = tpu.vector_load %arg4[%get3A_436, %get3A_437] {strides = array<i32>} : memref<8x128xf32, #tpu.memory_space<vmem>>, vector<16xf32>,
      %mul3A_439 = arith.mulf %get3A_438, %select_n3A_404 : vector<16xf32>
      %add3A_440 = arith.addf %add3A_434, %mul3A_439 : vector<16xf32>
      %broadcast_in_dim3A_441 = arith.constant 0.000000e+00 : f32
      %broadcast_in_dim3A_442 = vector.broadcast %broadcast_in_dim3A_441 : f32 to vector<16xf32>
      %get3A_443 = arith.constant 4 : i32
      %get3A_444 = arith.index_cast %get3A_443 : i32 to index
      %get3A_445 = arith.constant 80 : index
      %get3A_446 = tpu.vector_load %arg4[%get3A_444, %get3A_445] {strides = array<i32>} : memref<8x128xf32, #tpu.memory_space<vmem>>, vector<16xf32>,
      %get3A_447 = arith.constant 6 : i32
      %get3A_448 = arith.index_cast %get3A_447 : i32 to index
      %get3A_449 = arith.constant 64 : index
      %get3A_450 = tpu.vector_load %arg4[%get3A_448, %get3A_449] {strides = array<i32>} : memref<8x128xf32, #tpu.memory_space<vmem>>, vector<16xf32>,
      %mul3A_451 = arith.mulf %add3A_416, %get3A_450 : vector<16xf32>
      %add3A_452 = arith.addf %get3A_446, %mul3A_451 : vector<16xf32>
      %get3A_453 = arith.constant 7 : i32
      %get3A_454 = arith.index_cast %get3A_453 : i32 to index
      %get3A_455 = arith.constant 64 : index
      %get3A_456 = tpu.vector_load %arg4[%get3A_454, %get3A_455] {strides = array<i32>} : memref<8x128xf32, #tpu.memory_space<vmem>>, vector<16xf32>,
      %mul3A_457 = arith.mulf %add3A_428, %get3A_456 : vector<16xf32>
      %add3A_458 = arith.addf %add3A_452, %mul3A_457 : vector<16xf32>
      %get3A_459 = arith.constant 0 : i32
      %get3A_460 = arith.index_cast %get3A_459 : i32 to index
      %get3A_461 = arith.constant 80 : index
      %get3A_462 = tpu.vector_load %arg4[%get3A_460, %get3A_461] {strides = array<i32>} : memref<8x128xf32, #tpu.memory_space<vmem>>, vector<16xf32>,
      %mul3A_463 = arith.mulf %add3A_440, %get3A_462 : vector<16xf32>
      %add3A_464 = arith.addf %add3A_458, %mul3A_463 : vector<16xf32>
      %mul3A_465 = arith.mulf %add3A_464, %add3A_464 : vector<16xf32>
      %add3A_466 = arith.addf %broadcast_in_dim3A_442, %mul3A_465 : vector<16xf32>
      %get3A_467 = arith.constant 5 : i32
      %get3A_468 = arith.index_cast %get3A_467 : i32 to index
      %get3A_469 = arith.constant 80 : index
      %get3A_470 = tpu.vector_load %arg4[%get3A_468, %get3A_469] {strides = array<i32>} : memref<8x128xf32, #tpu.memory_space<vmem>>, vector<16xf32>,
      %get3A_471 = arith.constant 1 : i32
      %get3A_472 = arith.index_cast %get3A_471 : i32 to index
      %get3A_473 = arith.constant 80 : index
      %get3A_474 = tpu.vector_load %arg4[%get3A_472, %get3A_473] {strides = array<i32>} : memref<8x128xf32, #tpu.memory_space<vmem>>, vector<16xf32>,
      %mul3A_475 = arith.mulf %add3A_416, %get3A_474 : vector<16xf32>
      %add3A_476 = arith.addf %get3A_470, %mul3A_475 : vector<16xf32>
      %get3A_477 = arith.constant 2 : i32
      %get3A_478 = arith.index_cast %get3A_477 : i32 to index
      %get3A_479 = arith.constant 80 : index
      %get3A_480 = tpu.vector_load %arg4[%get3A_478, %get3A_479] {strides = array<i32>} : memref<8x128xf32, #tpu.memory_space<vmem>>, vector<16xf32>,
      %mul3A_481 = arith.mulf %add3A_428, %get3A_480 : vector<16xf32>
      %add3A_482 = arith.addf %add3A_476, %mul3A_481 : vector<16xf32>
      %get3A_483 = arith.constant 3 : i32
      %get3A_484 = arith.index_cast %get3A_483 : i32 to index
      %get3A_485 = arith.constant 80 : index
      %get3A_486 = tpu.vector_load %arg4[%get3A_484, %get3A_485] {strides = array<i32>} : memref<8x128xf32, #tpu.memory_space<vmem>>, vector<16xf32>,
      %mul3A_487 = arith.mulf %add3A_440, %get3A_486 : vector<16xf32>
      %add3A_488 = arith.addf %add3A_482, %mul3A_487 : vector<16xf32>
      %mul3A_489 = arith.mulf %add3A_488, %add3A_488 : vector<16xf32>
      %add3A_490 = arith.addf %add3A_466, %mul3A_489 : vector<16xf32>
      %bitcast3A = vector.bitcast %add3A_490 : vector<16xf32> to vector<16xi32>
      %shift_right_arithmetic3A = arith.constant 1 : i32
      %shift_right_arithmetic3A_491 = vector.broadcast %shift_right_arithmetic3A : i32 to vector<16xi32>
      %shift_right_arithmetic3A_492 = arith.shrsi %bitcast3A, %shift_right_arithmetic3A_491 : vector<16xi32>
      %sub3A_493 = arith.constant 1597463007 : i32
      %sub3A_494 = vector.broadcast %sub3A_493 : i32 to vector<16xi32>
      %sub3A_495 = arith.subi %sub3A_494, %shift_right_arithmetic3A_492 : vector<16xi32>
      %bitcast3A_496 = vector.bitcast %sub3A_495 : vector<16xi32> to vector<16xf32>
      %mul3A_497 = arith.constant 5.000000e-01 : f32
      %mul3A_498 = vector.broadcast %mul3A_497 : f32 to vector<16xf32>
      %mul3A_499 = arith.mulf %mul3A_498, %add3A_490 : vector<16xf32>
      %mul3A_500 = arith.mulf %mul3A_499, %bitcast3A_496 : vector<16xf32>
      %mul3A_501 = arith.mulf %mul3A_500, %bitcast3A_496 : vector<16xf32>
      %sub3A_502 = arith.constant 1.500000e+00 : f32
      %sub3A_503 = vector.broadcast %sub3A_502 : f32 to vector<16xf32>
      %sub3A_504 = arith.subf %sub3A_503, %mul3A_501 : vector<16xf32>
      %mul3A_505 = arith.mulf %bitcast3A_496, %sub3A_504 : vector<16xf32>
      %mul3A_506 = arith.constant 5.000000e-01 : f32
      %mul3A_507 = vector.broadcast %mul3A_506 : f32 to vector<16xf32>
      %mul3A_508 = arith.mulf %mul3A_507, %add3A_490 : vector<16xf32>
      %mul3A_509 = arith.mulf %mul3A_508, %mul3A_505 : vector<16xf32>
      %mul3A_510 = arith.mulf %mul3A_509, %mul3A_505 : vector<16xf32>
      %sub3A_511 = arith.constant 1.500000e+00 : f32
      %sub3A_512 = vector.broadcast %sub3A_511 : f32 to vector<16xf32>
      %sub3A_513 = arith.subf %sub3A_512, %mul3A_510 : vector<16xf32>
      %mul3A_514 = arith.mulf %mul3A_505, %sub3A_513 : vector<16xf32>
      %mul3A_515 = arith.constant 5.000000e-01 : f32
      %mul3A_516 = vector.broadcast %mul3A_515 : f32 to vector<16xf32>
      %mul3A_517 = arith.mulf %mul3A_516, %add3A_490 : vector<16xf32>
      %mul3A_518 = arith.mulf %mul3A_517, %mul3A_514 : vector<16xf32>
      %mul3A_519 = arith.mulf %mul3A_518, %mul3A_514 : vector<16xf32>
      %sub3A_520 = arith.constant 1.500000e+00 : f32
      %sub3A_521 = vector.broadcast %sub3A_520 : f32 to vector<16xf32>
      %sub3A_522 = arith.subf %sub3A_521, %mul3A_519 : vector<16xf32>
      %mul3A_523 = arith.mulf %mul3A_514, %sub3A_522 : vector<16xf32>
      %mul3A_524 = arith.mulf %add3A_490, %mul3A_523 : vector<16xf32>
      %reduce_max3A = arith.constant true
      %reduce_max3A_525 = vector.broadcast %reduce_max3A : i1 to vector<16xi1>
      %reduce_max3A_526 = tpu.scan <max>, %mul3A_524 masked %reduce_max3A_525 : vector<16xf32>, vector<16xi1> -> vector<16xf32>
      %reduce_max3A_527 = vector.extract %reduce_max3A_526[15] : f32 from vector<16xf32>
      %sub3A_528 = vector.broadcast %reduce_max3A_527 : f32 to vector<16xf32>
      %sub3A_529 = arith.subf %mul3A_524, %sub3A_528 : vector<16xf32>
      %exp3A_530 = math.exp %sub3A_529 : vector<16xf32>
      %reduce_sum3A = arith.constant true
      %reduce_sum3A_531 = vector.broadcast %reduce_sum3A : i1 to vector<16xi1>
      %reduce_sum3A_532 = tpu.scan <sum>, %exp3A_530 masked %reduce_sum3A_531 : vector<16xf32>, vector<16xi1> -> vector<16xf32>
      %reduce_sum3A_533 = vector.extract %reduce_sum3A_532[15] : f32 from vector<16xf32>
      %div3A_534 = vector.broadcast %reduce_sum3A_533 : f32 to vector<16xf32>
      %div3A_535 = arith.divf %exp3A_530, %div3A_534 : vector<16xf32>
      %swap3A = arith.constant 0 : index
      %swap3A_536 = tpu.vector_load %arg5[%swap3A] {strides = array<i32>} : memref<16xf32, #tpu.memory_space<vmem>>, vector<16xf32>,
      tpu.vector_store %arg5[%swap3A], %div3A_535 {strides = array<i32>} : memref<16xf32, #tpu.memory_space<vmem>>, vector<16xf32>,
      "tpu.region"() ({
        %run_scoped3A = tpu.sem_alloc : memref<!tpu.dma_semaphore, #tpu.memory_space<semaphore_mem>>
        tpu.enqueue_dma source(%arg5 : memref<16xf32, #tpu.memory_space<vmem>>) target(%arg3 : memref<16xf32, #tpu.memory_space<hbm>>) target_semaphore(%run_scoped3A : memref<!tpu.dma_semaphore, #tpu.memory_space<semaphore_mem>>)
        tpu.wait_dma2 semaphore(%run_scoped3A : memref<!tpu.dma_semaphore, #tpu.memory_space<semaphore_mem>>) src(%arg5 : memref<16xf32, #tpu.memory_space<vmem>>) dst(%arg3 : memref<16xf32, #tpu.memory_space<hbm>>)
        tpu.yield
      }) : () -> ()
    } else {
    }
    return
  }
}

module attributes {stable_mosaic.version = 14 : i64} {
  func.func @_pack_body(%arg0: memref<1x18xf32, #tpu.memory_space<vmem>>, %arg1: memref<16x3x2xf32, #tpu.memory_space<vmem>>, %arg2: memref<16x3x2xf32, #tpu.memory_space<vmem>>, %arg3: memref<16x2x3x2xf32, #tpu.memory_space<vmem>>, %arg4: memref<16x2x3xf32, #tpu.memory_space<vmem>>, %arg5: memref<16x2xf32, #tpu.memory_space<vmem>>, %arg6: memref<8x128xf32, #tpu.memory_space<vmem>>) attributes {dimension_semantics = [], scalar_prefetch = 0 : i64, scratch_operands = 0 : i64, tpu.core_type = #tpu.core_type<tc>} {
    %get3A = arith.constant 0 : index
    %get3A_0 = arith.constant 0 : index
    %get3A_1 = vector.load %arg0[%get3A, %get3A_0] : memref<1x18xf32, #tpu.memory_space<vmem>>, vector<1x1xf32>
    %get3A_2 = vector.extract %get3A_1[0, 0] : f32 from vector<1x1xf32>
    %broadcast_in_dim3A = vector.broadcast %get3A_2 : f32 to vector<16xf32>
    %swap3A = arith.constant 0 : index
    %swap3A_3 = arith.constant 0 : index
    %swap3A_4 = vector.load %arg6[%swap3A, %swap3A_3] : memref<8x128xf32, #tpu.memory_space<vmem>>, vector<1x16xf32>
    %swap3A_5 = vector.shape_cast %swap3A_4 : vector<1x16xf32> to vector<16xf32>
    %swap3A_6 = vector.shape_cast %broadcast_in_dim3A : vector<16xf32> to vector<1x16xf32>
    tpu.vector_store %arg6[%swap3A, %swap3A_3], %swap3A_6 {strides = array<i32>} : memref<8x128xf32, #tpu.memory_space<vmem>>, vector<1x16xf32>,
    %get3A_7 = arith.constant 0 : index
    %get3A_8 = arith.constant 1 : index
    %get3A_9 = vector.load %arg0[%get3A_7, %get3A_8] : memref<1x18xf32, #tpu.memory_space<vmem>>, vector<1x1xf32>
    %get3A_10 = vector.extract %get3A_9[0, 0] : f32 from vector<1x1xf32>
    %broadcast_in_dim3A_11 = vector.broadcast %get3A_10 : f32 to vector<16xf32>
    %swap3A_12 = arith.constant 1 : index
    %swap3A_13 = arith.constant 0 : index
    %swap3A_14 = vector.load %arg6[%swap3A_12, %swap3A_13] : memref<8x128xf32, #tpu.memory_space<vmem>>, vector<1x16xf32>
    %swap3A_15 = vector.shape_cast %swap3A_14 : vector<1x16xf32> to vector<16xf32>
    %swap3A_16 = vector.shape_cast %broadcast_in_dim3A_11 : vector<16xf32> to vector<1x16xf32>
    tpu.vector_store %arg6[%swap3A_12, %swap3A_13], %swap3A_16 {strides = array<i32>} : memref<8x128xf32, #tpu.memory_space<vmem>>, vector<1x16xf32>,
    %get3A_17 = arith.constant 0 : index
    %get3A_18 = arith.constant 2 : index
    %get3A_19 = vector.load %arg0[%get3A_17, %get3A_18] : memref<1x18xf32, #tpu.memory_space<vmem>>, vector<1x1xf32>
    %get3A_20 = vector.extract %get3A_19[0, 0] : f32 from vector<1x1xf32>
    %broadcast_in_dim3A_21 = vector.broadcast %get3A_20 : f32 to vector<16xf32>
    %swap3A_22 = arith.constant 2 : index
    %swap3A_23 = arith.constant 0 : index
    %swap3A_24 = vector.load %arg6[%swap3A_22, %swap3A_23] : memref<8x128xf32, #tpu.memory_space<vmem>>, vector<1x16xf32>
    %swap3A_25 = vector.shape_cast %swap3A_24 : vector<1x16xf32> to vector<16xf32>
    %swap3A_26 = vector.shape_cast %broadcast_in_dim3A_21 : vector<16xf32> to vector<1x16xf32>
    tpu.vector_store %arg6[%swap3A_22, %swap3A_23], %swap3A_26 {strides = array<i32>} : memref<8x128xf32, #tpu.memory_space<vmem>>, vector<1x16xf32>,
    %get3A_27 = arith.constant 0 : index
    %get3A_28 = arith.constant 3 : index
    %get3A_29 = vector.load %arg0[%get3A_27, %get3A_28] : memref<1x18xf32, #tpu.memory_space<vmem>>, vector<1x1xf32>
    %get3A_30 = vector.extract %get3A_29[0, 0] : f32 from vector<1x1xf32>
    %broadcast_in_dim3A_31 = vector.broadcast %get3A_30 : f32 to vector<16xf32>
    %swap3A_32 = arith.constant 3 : index
    %swap3A_33 = arith.constant 0 : index
    %swap3A_34 = vector.load %arg6[%swap3A_32, %swap3A_33] : memref<8x128xf32, #tpu.memory_space<vmem>>, vector<1x16xf32>
    %swap3A_35 = vector.shape_cast %swap3A_34 : vector<1x16xf32> to vector<16xf32>
    %swap3A_36 = vector.shape_cast %broadcast_in_dim3A_31 : vector<16xf32> to vector<1x16xf32>
    tpu.vector_store %arg6[%swap3A_32, %swap3A_33], %swap3A_36 {strides = array<i32>} : memref<8x128xf32, #tpu.memory_space<vmem>>, vector<1x16xf32>,
    %get3A_37 = arith.constant 0 : index
    %get3A_38 = arith.constant 4 : index
    %get3A_39 = vector.load %arg0[%get3A_37, %get3A_38] : memref<1x18xf32, #tpu.memory_space<vmem>>, vector<1x1xf32>
    %get3A_40 = vector.extract %get3A_39[0, 0] : f32 from vector<1x1xf32>
    %broadcast_in_dim3A_41 = vector.broadcast %get3A_40 : f32 to vector<16xf32>
    %swap3A_42 = arith.constant 4 : index
    %swap3A_43 = arith.constant 0 : index
    %swap3A_44 = vector.load %arg6[%swap3A_42, %swap3A_43] : memref<8x128xf32, #tpu.memory_space<vmem>>, vector<1x16xf32>
    %swap3A_45 = vector.shape_cast %swap3A_44 : vector<1x16xf32> to vector<16xf32>
    %swap3A_46 = vector.shape_cast %broadcast_in_dim3A_41 : vector<16xf32> to vector<1x16xf32>
    tpu.vector_store %arg6[%swap3A_42, %swap3A_43], %swap3A_46 {strides = array<i32>} : memref<8x128xf32, #tpu.memory_space<vmem>>, vector<1x16xf32>,
    %get3A_47 = arith.constant 0 : index
    %get3A_48 = arith.constant 5 : index
    %get3A_49 = vector.load %arg0[%get3A_47, %get3A_48] : memref<1x18xf32, #tpu.memory_space<vmem>>, vector<1x1xf32>
    %get3A_50 = vector.extract %get3A_49[0, 0] : f32 from vector<1x1xf32>
    %broadcast_in_dim3A_51 = vector.broadcast %get3A_50 : f32 to vector<16xf32>
    %swap3A_52 = arith.constant 5 : index
    %swap3A_53 = arith.constant 0 : index
    %swap3A_54 = vector.load %arg6[%swap3A_52, %swap3A_53] : memref<8x128xf32, #tpu.memory_space<vmem>>, vector<1x16xf32>
    %swap3A_55 = vector.shape_cast %swap3A_54 : vector<1x16xf32> to vector<16xf32>
    %swap3A_56 = vector.shape_cast %broadcast_in_dim3A_51 : vector<16xf32> to vector<1x16xf32>
    tpu.vector_store %arg6[%swap3A_52, %swap3A_53], %swap3A_56 {strides = array<i32>} : memref<8x128xf32, #tpu.memory_space<vmem>>, vector<1x16xf32>,
    %get3A_57 = arith.constant 0 : index
    %get3A_58 = arith.constant 6 : index
    %get3A_59 = vector.load %arg0[%get3A_57, %get3A_58] : memref<1x18xf32, #tpu.memory_space<vmem>>, vector<1x1xf32>
    %get3A_60 = vector.extract %get3A_59[0, 0] : f32 from vector<1x1xf32>
    %broadcast_in_dim3A_61 = vector.broadcast %get3A_60 : f32 to vector<16xf32>
    %swap3A_62 = arith.constant 6 : index
    %swap3A_63 = arith.constant 0 : index
    %swap3A_64 = vector.load %arg6[%swap3A_62, %swap3A_63] : memref<8x128xf32, #tpu.memory_space<vmem>>, vector<1x16xf32>
    %swap3A_65 = vector.shape_cast %swap3A_64 : vector<1x16xf32> to vector<16xf32>
    %swap3A_66 = vector.shape_cast %broadcast_in_dim3A_61 : vector<16xf32> to vector<1x16xf32>
    tpu.vector_store %arg6[%swap3A_62, %swap3A_63], %swap3A_66 {strides = array<i32>} : memref<8x128xf32, #tpu.memory_space<vmem>>, vector<1x16xf32>,
    %get3A_67 = arith.constant 0 : index
    %get3A_68 = arith.constant 7 : index
    %get3A_69 = vector.load %arg0[%get3A_67, %get3A_68] : memref<1x18xf32, #tpu.memory_space<vmem>>, vector<1x1xf32>
    %get3A_70 = vector.extract %get3A_69[0, 0] : f32 from vector<1x1xf32>
    %broadcast_in_dim3A_71 = vector.broadcast %get3A_70 : f32 to vector<16xf32>
    %swap3A_72 = arith.constant 7 : index
    %swap3A_73 = arith.constant 0 : index
    %swap3A_74 = vector.load %arg6[%swap3A_72, %swap3A_73] : memref<8x128xf32, #tpu.memory_space<vmem>>, vector<1x16xf32>
    %swap3A_75 = vector.shape_cast %swap3A_74 : vector<1x16xf32> to vector<16xf32>
    %swap3A_76 = vector.shape_cast %broadcast_in_dim3A_71 : vector<16xf32> to vector<1x16xf32>
    tpu.vector_store %arg6[%swap3A_72, %swap3A_73], %swap3A_76 {strides = array<i32>} : memref<8x128xf32, #tpu.memory_space<vmem>>, vector<1x16xf32>,
    %get3A_77 = arith.constant 0 : index
    %get3A_78 = arith.constant 8 : index
    %get3A_79 = vector.load %arg0[%get3A_77, %get3A_78] : memref<1x18xf32, #tpu.memory_space<vmem>>, vector<1x1xf32>
    %get3A_80 = vector.extract %get3A_79[0, 0] : f32 from vector<1x1xf32>
    %broadcast_in_dim3A_81 = vector.broadcast %get3A_80 : f32 to vector<16xf32>
    %swap3A_82 = arith.constant 0 : index
    %swap3A_83 = arith.constant 16 : index
    %swap3A_84 = vector.load %arg6[%swap3A_82, %swap3A_83] : memref<8x128xf32, #tpu.memory_space<vmem>>, vector<1x16xf32>
    %swap3A_85 = vector.shape_cast %swap3A_84 : vector<1x16xf32> to vector<16xf32>
    %swap3A_86 = vector.shape_cast %broadcast_in_dim3A_81 : vector<16xf32> to vector<1x16xf32>
    tpu.vector_store %arg6[%swap3A_82, %swap3A_83], %swap3A_86 {strides = array<i32>} : memref<8x128xf32, #tpu.memory_space<vmem>>, vector<1x16xf32>,
    %get3A_87 = arith.constant 0 : index
    %get3A_88 = arith.constant 9 : index
    %get3A_89 = vector.load %arg0[%get3A_87, %get3A_88] : memref<1x18xf32, #tpu.memory_space<vmem>>, vector<1x1xf32>
    %get3A_90 = vector.extract %get3A_89[0, 0] : f32 from vector<1x1xf32>
    %broadcast_in_dim3A_91 = vector.broadcast %get3A_90 : f32 to vector<16xf32>
    %swap3A_92 = arith.constant 1 : index
    %swap3A_93 = arith.constant 16 : index
    %swap3A_94 = vector.load %arg6[%swap3A_92, %swap3A_93] : memref<8x128xf32, #tpu.memory_space<vmem>>, vector<1x16xf32>
    %swap3A_95 = vector.shape_cast %swap3A_94 : vector<1x16xf32> to vector<16xf32>
    %swap3A_96 = vector.shape_cast %broadcast_in_dim3A_91 : vector<16xf32> to vector<1x16xf32>
    tpu.vector_store %arg6[%swap3A_92, %swap3A_93], %swap3A_96 {strides = array<i32>} : memref<8x128xf32, #tpu.memory_space<vmem>>, vector<1x16xf32>,
    %get3A_97 = arith.constant 0 : index
    %get3A_98 = arith.constant 10 : index
    %get3A_99 = vector.load %arg0[%get3A_97, %get3A_98] : memref<1x18xf32, #tpu.memory_space<vmem>>, vector<1x1xf32>
    %get3A_100 = vector.extract %get3A_99[0, 0] : f32 from vector<1x1xf32>
    %broadcast_in_dim3A_101 = vector.broadcast %get3A_100 : f32 to vector<16xf32>
    %swap3A_102 = arith.constant 2 : index
    %swap3A_103 = arith.constant 16 : index
    %swap3A_104 = vector.load %arg6[%swap3A_102, %swap3A_103] : memref<8x128xf32, #tpu.memory_space<vmem>>, vector<1x16xf32>
    %swap3A_105 = vector.shape_cast %swap3A_104 : vector<1x16xf32> to vector<16xf32>
    %swap3A_106 = vector.shape_cast %broadcast_in_dim3A_101 : vector<16xf32> to vector<1x16xf32>
    tpu.vector_store %arg6[%swap3A_102, %swap3A_103], %swap3A_106 {strides = array<i32>} : memref<8x128xf32, #tpu.memory_space<vmem>>, vector<1x16xf32>,
    %get3A_107 = arith.constant 0 : index
    %get3A_108 = arith.constant 11 : index
    %get3A_109 = vector.load %arg0[%get3A_107, %get3A_108] : memref<1x18xf32, #tpu.memory_space<vmem>>, vector<1x1xf32>
    %get3A_110 = vector.extract %get3A_109[0, 0] : f32 from vector<1x1xf32>
    %broadcast_in_dim3A_111 = vector.broadcast %get3A_110 : f32 to vector<16xf32>
    %swap3A_112 = arith.constant 3 : index
    %swap3A_113 = arith.constant 16 : index
    %swap3A_114 = vector.load %arg6[%swap3A_112, %swap3A_113] : memref<8x128xf32, #tpu.memory_space<vmem>>, vector<1x16xf32>
    %swap3A_115 = vector.shape_cast %swap3A_114 : vector<1x16xf32> to vector<16xf32>
    %swap3A_116 = vector.shape_cast %broadcast_in_dim3A_111 : vector<16xf32> to vector<1x16xf32>
    tpu.vector_store %arg6[%swap3A_112, %swap3A_113], %swap3A_116 {strides = array<i32>} : memref<8x128xf32, #tpu.memory_space<vmem>>, vector<1x16xf32>,
    %get3A_117 = arith.constant 0 : index
    %get3A_118 = arith.constant 12 : index
    %get3A_119 = vector.load %arg0[%get3A_117, %get3A_118] : memref<1x18xf32, #tpu.memory_space<vmem>>, vector<1x1xf32>
    %get3A_120 = vector.extract %get3A_119[0, 0] : f32 from vector<1x1xf32>
    %broadcast_in_dim3A_121 = vector.broadcast %get3A_120 : f32 to vector<16xf32>
    %swap3A_122 = arith.constant 4 : index
    %swap3A_123 = arith.constant 16 : index
    %swap3A_124 = vector.load %arg6[%swap3A_122, %swap3A_123] : memref<8x128xf32, #tpu.memory_space<vmem>>, vector<1x16xf32>
    %swap3A_125 = vector.shape_cast %swap3A_124 : vector<1x16xf32> to vector<16xf32>
    %swap3A_126 = vector.shape_cast %broadcast_in_dim3A_121 : vector<16xf32> to vector<1x16xf32>
    tpu.vector_store %arg6[%swap3A_122, %swap3A_123], %swap3A_126 {strides = array<i32>} : memref<8x128xf32, #tpu.memory_space<vmem>>, vector<1x16xf32>,
    %get3A_127 = arith.constant 0 : index
    %get3A_128 = arith.constant 13 : index
    %get3A_129 = vector.load %arg0[%get3A_127, %get3A_128] : memref<1x18xf32, #tpu.memory_space<vmem>>, vector<1x1xf32>
    %get3A_130 = vector.extract %get3A_129[0, 0] : f32 from vector<1x1xf32>
    %broadcast_in_dim3A_131 = vector.broadcast %get3A_130 : f32 to vector<16xf32>
    %swap3A_132 = arith.constant 5 : index
    %swap3A_133 = arith.constant 16 : index
    %swap3A_134 = vector.load %arg6[%swap3A_132, %swap3A_133] : memref<8x128xf32, #tpu.memory_space<vmem>>, vector<1x16xf32>
    %swap3A_135 = vector.shape_cast %swap3A_134 : vector<1x16xf32> to vector<16xf32>
    %swap3A_136 = vector.shape_cast %broadcast_in_dim3A_131 : vector<16xf32> to vector<1x16xf32>
    tpu.vector_store %arg6[%swap3A_132, %swap3A_133], %swap3A_136 {strides = array<i32>} : memref<8x128xf32, #tpu.memory_space<vmem>>, vector<1x16xf32>,
    %get3A_137 = arith.constant 0 : index
    %get3A_138 = arith.constant 14 : index
    %get3A_139 = vector.load %arg0[%get3A_137, %get3A_138] : memref<1x18xf32, #tpu.memory_space<vmem>>, vector<1x1xf32>
    %get3A_140 = vector.extract %get3A_139[0, 0] : f32 from vector<1x1xf32>
    %broadcast_in_dim3A_141 = vector.broadcast %get3A_140 : f32 to vector<16xf32>
    %swap3A_142 = arith.constant 6 : index
    %swap3A_143 = arith.constant 16 : index
    %swap3A_144 = vector.load %arg6[%swap3A_142, %swap3A_143] : memref<8x128xf32, #tpu.memory_space<vmem>>, vector<1x16xf32>
    %swap3A_145 = vector.shape_cast %swap3A_144 : vector<1x16xf32> to vector<16xf32>
    %swap3A_146 = vector.shape_cast %broadcast_in_dim3A_141 : vector<16xf32> to vector<1x16xf32>
    tpu.vector_store %arg6[%swap3A_142, %swap3A_143], %swap3A_146 {strides = array<i32>} : memref<8x128xf32, #tpu.memory_space<vmem>>, vector<1x16xf32>,
    %get3A_147 = arith.constant 0 : index
    %get3A_148 = arith.constant 15 : index
    %get3A_149 = vector.load %arg0[%get3A_147, %get3A_148] : memref<1x18xf32, #tpu.memory_space<vmem>>, vector<1x1xf32>
    %get3A_150 = vector.extract %get3A_149[0, 0] : f32 from vector<1x1xf32>
    %broadcast_in_dim3A_151 = vector.broadcast %get3A_150 : f32 to vector<16xf32>
    %swap3A_152 = arith.constant 7 : index
    %swap3A_153 = arith.constant 16 : index
    %swap3A_154 = vector.load %arg6[%swap3A_152, %swap3A_153] : memref<8x128xf32, #tpu.memory_space<vmem>>, vector<1x16xf32>
    %swap3A_155 = vector.shape_cast %swap3A_154 : vector<1x16xf32> to vector<16xf32>
    %swap3A_156 = vector.shape_cast %broadcast_in_dim3A_151 : vector<16xf32> to vector<1x16xf32>
    tpu.vector_store %arg6[%swap3A_152, %swap3A_153], %swap3A_156 {strides = array<i32>} : memref<8x128xf32, #tpu.memory_space<vmem>>, vector<1x16xf32>,
    %get3A_157 = arith.constant 0 : index
    %get3A_158 = arith.constant 16 : index
    %get3A_159 = vector.load %arg0[%get3A_157, %get3A_158] : memref<1x18xf32, #tpu.memory_space<vmem>>, vector<1x1xf32>
    %get3A_160 = vector.extract %get3A_159[0, 0] : f32 from vector<1x1xf32>
    %broadcast_in_dim3A_161 = vector.broadcast %get3A_160 : f32 to vector<16xf32>
    %swap3A_162 = arith.constant 0 : index
    %swap3A_163 = arith.constant 32 : index
    %swap3A_164 = vector.load %arg6[%swap3A_162, %swap3A_163] : memref<8x128xf32, #tpu.memory_space<vmem>>, vector<1x16xf32>
    %swap3A_165 = vector.shape_cast %swap3A_164 : vector<1x16xf32> to vector<16xf32>
    %swap3A_166 = vector.shape_cast %broadcast_in_dim3A_161 : vector<16xf32> to vector<1x16xf32>
    tpu.vector_store %arg6[%swap3A_162, %swap3A_163], %swap3A_166 {strides = array<i32>} : memref<8x128xf32, #tpu.memory_space<vmem>>, vector<1x16xf32>,
    %get3A_167 = arith.constant 0 : index
    %get3A_168 = arith.constant 17 : index
    %get3A_169 = vector.load %arg0[%get3A_167, %get3A_168] : memref<1x18xf32, #tpu.memory_space<vmem>>, vector<1x1xf32>
    %get3A_170 = vector.extract %get3A_169[0, 0] : f32 from vector<1x1xf32>
    %broadcast_in_dim3A_171 = vector.broadcast %get3A_170 : f32 to vector<16xf32>
    %swap3A_172 = arith.constant 1 : index
    %swap3A_173 = arith.constant 32 : index
    %swap3A_174 = vector.load %arg6[%swap3A_172, %swap3A_173] : memref<8x128xf32, #tpu.memory_space<vmem>>, vector<1x16xf32>
    %swap3A_175 = vector.shape_cast %swap3A_174 : vector<1x16xf32> to vector<16xf32>
    %swap3A_176 = vector.shape_cast %broadcast_in_dim3A_171 : vector<16xf32> to vector<1x16xf32>
    tpu.vector_store %arg6[%swap3A_172, %swap3A_173], %swap3A_176 {strides = array<i32>} : memref<8x128xf32, #tpu.memory_space<vmem>>, vector<1x16xf32>,
    %get3A_177 = arith.constant 0 : index
    %get3A_178 = arith.constant 1 : index
    %get3A_179 = arith.constant 0 : index
    %get3A_180 = vector.load %arg2[%get3A_177, %get3A_178, %get3A_179] : memref<16x3x2xf32, #tpu.memory_space<vmem>>, vector<16x1x1xf32>
    %get3A_181 = vector.shape_cast %get3A_180 : vector<16x1x1xf32> to vector<16xf32>
    %swap3A_182 = arith.constant 2 : index
    %swap3A_183 = arith.constant 32 : index
    %swap3A_184 = vector.load %arg6[%swap3A_182, %swap3A_183] : memref<8x128xf32, #tpu.memory_space<vmem>>, vector<1x16xf32>
    %swap3A_185 = vector.shape_cast %swap3A_184 : vector<1x16xf32> to vector<16xf32>
    %swap3A_186 = vector.shape_cast %get3A_181 : vector<16xf32> to vector<1x16xf32>
    tpu.vector_store %arg6[%swap3A_182, %swap3A_183], %swap3A_186 {strides = array<i32>} : memref<8x128xf32, #tpu.memory_space<vmem>>, vector<1x16xf32>,
    %get3A_187 = arith.constant 0 : index
    %get3A_188 = arith.constant 0 : index
    %get3A_189 = arith.constant 0 : index
    %get3A_190 = vector.load %arg1[%get3A_187, %get3A_188, %get3A_189] : memref<16x3x2xf32, #tpu.memory_space<vmem>>, vector<16x1x1xf32>
    %get3A_191 = vector.shape_cast %get3A_190 : vector<16x1x1xf32> to vector<16xf32>
    %swap3A_192 = arith.constant 6 : index
    %swap3A_193 = arith.constant 32 : index
    %swap3A_194 = vector.load %arg6[%swap3A_192, %swap3A_193] : memref<8x128xf32, #tpu.memory_space<vmem>>, vector<1x16xf32>
    %swap3A_195 = vector.shape_cast %swap3A_194 : vector<1x16xf32> to vector<16xf32>
    %swap3A_196 = vector.shape_cast %get3A_191 : vector<16xf32> to vector<1x16xf32>
    tpu.vector_store %arg6[%swap3A_192, %swap3A_193], %swap3A_196 {strides = array<i32>} : memref<8x128xf32, #tpu.memory_space<vmem>>, vector<1x16xf32>,
    %get3A_197 = arith.constant 0 : index
    %get3A_198 = arith.constant 1 : index
    %get3A_199 = arith.constant 1 : index
    %get3A_200 = vector.load %arg2[%get3A_197, %get3A_198, %get3A_199] : memref<16x3x2xf32, #tpu.memory_space<vmem>>, vector<16x1x1xf32>
    %get3A_201 = vector.shape_cast %get3A_200 : vector<16x1x1xf32> to vector<16xf32>
    %swap3A_202 = arith.constant 3 : index
    %swap3A_203 = arith.constant 32 : index
    %swap3A_204 = vector.load %arg6[%swap3A_202, %swap3A_203] : memref<8x128xf32, #tpu.memory_space<vmem>>, vector<1x16xf32>
    %swap3A_205 = vector.shape_cast %swap3A_204 : vector<1x16xf32> to vector<16xf32>
    %swap3A_206 = vector.shape_cast %get3A_201 : vector<16xf32> to vector<1x16xf32>
    tpu.vector_store %arg6[%swap3A_202, %swap3A_203], %swap3A_206 {strides = array<i32>} : memref<8x128xf32, #tpu.memory_space<vmem>>, vector<1x16xf32>,
    %get3A_207 = arith.constant 0 : index
    %get3A_208 = arith.constant 0 : index
    %get3A_209 = arith.constant 1 : index
    %get3A_210 = vector.load %arg1[%get3A_207, %get3A_208, %get3A_209] : memref<16x3x2xf32, #tpu.memory_space<vmem>>, vector<16x1x1xf32>
    %get3A_211 = vector.shape_cast %get3A_210 : vector<16x1x1xf32> to vector<16xf32>
    %swap3A_212 = arith.constant 7 : index
    %swap3A_213 = arith.constant 32 : index
    %swap3A_214 = vector.load %arg6[%swap3A_212, %swap3A_213] : memref<8x128xf32, #tpu.memory_space<vmem>>, vector<1x16xf32>
    %swap3A_215 = vector.shape_cast %swap3A_214 : vector<1x16xf32> to vector<16xf32>
    %swap3A_216 = vector.shape_cast %get3A_211 : vector<16xf32> to vector<1x16xf32>
    tpu.vector_store %arg6[%swap3A_212, %swap3A_213], %swap3A_216 {strides = array<i32>} : memref<8x128xf32, #tpu.memory_space<vmem>>, vector<1x16xf32>,
    %get3A_217 = arith.constant 0 : index
    %get3A_218 = arith.constant 2 : index
    %get3A_219 = arith.constant 0 : index
    %get3A_220 = vector.load %arg2[%get3A_217, %get3A_218, %get3A_219] : memref<16x3x2xf32, #tpu.memory_space<vmem>>, vector<16x1x1xf32>
    %get3A_221 = vector.shape_cast %get3A_220 : vector<16x1x1xf32> to vector<16xf32>
    %swap3A_222 = arith.constant 4 : index
    %swap3A_223 = arith.constant 32 : index
    %swap3A_224 = vector.load %arg6[%swap3A_222, %swap3A_223] : memref<8x128xf32, #tpu.memory_space<vmem>>, vector<1x16xf32>
    %swap3A_225 = vector.shape_cast %swap3A_224 : vector<1x16xf32> to vector<16xf32>
    %swap3A_226 = vector.shape_cast %get3A_221 : vector<16xf32> to vector<1x16xf32>
    tpu.vector_store %arg6[%swap3A_222, %swap3A_223], %swap3A_226 {strides = array<i32>} : memref<8x128xf32, #tpu.memory_space<vmem>>, vector<1x16xf32>,
    %get3A_227 = arith.constant 0 : index
    %get3A_228 = arith.constant 1 : index
    %get3A_229 = arith.constant 0 : index
    %get3A_230 = vector.load %arg1[%get3A_227, %get3A_228, %get3A_229] : memref<16x3x2xf32, #tpu.memory_space<vmem>>, vector<16x1x1xf32>
    %get3A_231 = vector.shape_cast %get3A_230 : vector<16x1x1xf32> to vector<16xf32>
    %swap3A_232 = arith.constant 0 : index
    %swap3A_233 = arith.constant 48 : index
    %swap3A_234 = vector.load %arg6[%swap3A_232, %swap3A_233] : memref<8x128xf32, #tpu.memory_space<vmem>>, vector<1x16xf32>
    %swap3A_235 = vector.shape_cast %swap3A_234 : vector<1x16xf32> to vector<16xf32>
    %swap3A_236 = vector.shape_cast %get3A_231 : vector<16xf32> to vector<1x16xf32>
    tpu.vector_store %arg6[%swap3A_232, %swap3A_233], %swap3A_236 {strides = array<i32>} : memref<8x128xf32, #tpu.memory_space<vmem>>, vector<1x16xf32>,
    %get3A_237 = arith.constant 0 : index
    %get3A_238 = arith.constant 2 : index
    %get3A_239 = arith.constant 1 : index
    %get3A_240 = vector.load %arg2[%get3A_237, %get3A_238, %get3A_239] : memref<16x3x2xf32, #tpu.memory_space<vmem>>, vector<16x1x1xf32>
    %get3A_241 = vector.shape_cast %get3A_240 : vector<16x1x1xf32> to vector<16xf32>
    %swap3A_242 = arith.constant 5 : index
    %swap3A_243 = arith.constant 32 : index
    %swap3A_244 = vector.load %arg6[%swap3A_242, %swap3A_243] : memref<8x128xf32, #tpu.memory_space<vmem>>, vector<1x16xf32>
    %swap3A_245 = vector.shape_cast %swap3A_244 : vector<1x16xf32> to vector<16xf32>
    %swap3A_246 = vector.shape_cast %get3A_241 : vector<16xf32> to vector<1x16xf32>
    tpu.vector_store %arg6[%swap3A_242, %swap3A_243], %swap3A_246 {strides = array<i32>} : memref<8x128xf32, #tpu.memory_space<vmem>>, vector<1x16xf32>,
    %get3A_247 = arith.constant 0 : index
    %get3A_248 = arith.constant 1 : index
    %get3A_249 = arith.constant 1 : index
    %get3A_250 = vector.load %arg1[%get3A_247, %get3A_248, %get3A_249] : memref<16x3x2xf32, #tpu.memory_space<vmem>>, vector<16x1x1xf32>
    %get3A_251 = vector.shape_cast %get3A_250 : vector<16x1x1xf32> to vector<16xf32>
    %swap3A_252 = arith.constant 1 : index
    %swap3A_253 = arith.constant 48 : index
    %swap3A_254 = vector.load %arg6[%swap3A_252, %swap3A_253] : memref<8x128xf32, #tpu.memory_space<vmem>>, vector<1x16xf32>
    %swap3A_255 = vector.shape_cast %swap3A_254 : vector<1x16xf32> to vector<16xf32>
    %swap3A_256 = vector.shape_cast %get3A_251 : vector<16xf32> to vector<1x16xf32>
    tpu.vector_store %arg6[%swap3A_252, %swap3A_253], %swap3A_256 {strides = array<i32>} : memref<8x128xf32, #tpu.memory_space<vmem>>, vector<1x16xf32>,
    %get3A_257 = arith.constant 0 : index
    %get3A_258 = arith.constant 0 : index
    %get3A_259 = arith.constant 0 : index
    %get3A_260 = arith.constant 0 : index
    %get3A_261 = vector.load %arg3[%get3A_257, %get3A_258, %get3A_259, %get3A_260] : memref<16x2x3x2xf32, #tpu.memory_space<vmem>>, vector<16x1x1x1xf32>
    %get3A_262 = vector.shape_cast %get3A_261 : vector<16x1x1x1xf32> to vector<16xf32>
    %swap3A_263 = arith.constant 2 : index
    %swap3A_264 = arith.constant 48 : index
    %swap3A_265 = vector.load %arg6[%swap3A_263, %swap3A_264] : memref<8x128xf32, #tpu.memory_space<vmem>>, vector<1x16xf32>
    %swap3A_266 = vector.shape_cast %swap3A_265 : vector<1x16xf32> to vector<16xf32>
    %swap3A_267 = vector.shape_cast %get3A_262 : vector<16xf32> to vector<1x16xf32>
    tpu.vector_store %arg6[%swap3A_263, %swap3A_264], %swap3A_267 {strides = array<i32>} : memref<8x128xf32, #tpu.memory_space<vmem>>, vector<1x16xf32>,
    %get3A_268 = arith.constant 0 : index
    %get3A_269 = arith.constant 0 : index
    %get3A_270 = arith.constant 0 : index
    %get3A_271 = arith.constant 1 : index
    %get3A_272 = vector.load %arg3[%get3A_268, %get3A_269, %get3A_270, %get3A_271] : memref<16x2x3x2xf32, #tpu.memory_space<vmem>>, vector<16x1x1x1xf32>
    %get3A_273 = vector.shape_cast %get3A_272 : vector<16x1x1x1xf32> to vector<16xf32>
    %swap3A_274 = arith.constant 3 : index
    %swap3A_275 = arith.constant 48 : index
    %swap3A_276 = vector.load %arg6[%swap3A_274, %swap3A_275] : memref<8x128xf32, #tpu.memory_space<vmem>>, vector<1x16xf32>
    %swap3A_277 = vector.shape_cast %swap3A_276 : vector<1x16xf32> to vector<16xf32>
    %swap3A_278 = vector.shape_cast %get3A_273 : vector<16xf32> to vector<1x16xf32>
    tpu.vector_store %arg6[%swap3A_274, %swap3A_275], %swap3A_278 {strides = array<i32>} : memref<8x128xf32, #tpu.memory_space<vmem>>, vector<1x16xf32>,
    %get3A_279 = arith.constant 0 : index
    %get3A_280 = arith.constant 0 : index
    %get3A_281 = arith.constant 1 : index
    %get3A_282 = arith.constant 0 : index
    %get3A_283 = vector.load %arg3[%get3A_279, %get3A_280, %get3A_281, %get3A_282] : memref<16x2x3x2xf32, #tpu.memory_space<vmem>>, vector<16x1x1x1xf32>
    %get3A_284 = vector.shape_cast %get3A_283 : vector<16x1x1x1xf32> to vector<16xf32>
    %swap3A_285 = arith.constant 4 : index
    %swap3A_286 = arith.constant 48 : index
    %swap3A_287 = vector.load %arg6[%swap3A_285, %swap3A_286] : memref<8x128xf32, #tpu.memory_space<vmem>>, vector<1x16xf32>
    %swap3A_288 = vector.shape_cast %swap3A_287 : vector<1x16xf32> to vector<16xf32>
    %swap3A_289 = vector.shape_cast %get3A_284 : vector<16xf32> to vector<1x16xf32>
    tpu.vector_store %arg6[%swap3A_285, %swap3A_286], %swap3A_289 {strides = array<i32>} : memref<8x128xf32, #tpu.memory_space<vmem>>, vector<1x16xf32>,
    %get3A_290 = arith.constant 0 : index
    %get3A_291 = arith.constant 0 : index
    %get3A_292 = arith.constant 1 : index
    %get3A_293 = arith.constant 1 : index
    %get3A_294 = vector.load %arg3[%get3A_290, %get3A_291, %get3A_292, %get3A_293] : memref<16x2x3x2xf32, #tpu.memory_space<vmem>>, vector<16x1x1x1xf32>
    %get3A_295 = vector.shape_cast %get3A_294 : vector<16x1x1x1xf32> to vector<16xf32>
    %swap3A_296 = arith.constant 5 : index
    %swap3A_297 = arith.constant 48 : index
    %swap3A_298 = vector.load %arg6[%swap3A_296, %swap3A_297] : memref<8x128xf32, #tpu.memory_space<vmem>>, vector<1x16xf32>
    %swap3A_299 = vector.shape_cast %swap3A_298 : vector<1x16xf32> to vector<16xf32>
    %swap3A_300 = vector.shape_cast %get3A_295 : vector<16xf32> to vector<1x16xf32>
    tpu.vector_store %arg6[%swap3A_296, %swap3A_297], %swap3A_300 {strides = array<i32>} : memref<8x128xf32, #tpu.memory_space<vmem>>, vector<1x16xf32>,
    %get3A_301 = arith.constant 0 : index
    %get3A_302 = arith.constant 0 : index
    %get3A_303 = arith.constant 2 : index
    %get3A_304 = arith.constant 0 : index
    %get3A_305 = vector.load %arg3[%get3A_301, %get3A_302, %get3A_303, %get3A_304] : memref<16x2x3x2xf32, #tpu.memory_space<vmem>>, vector<16x1x1x1xf32>
    %get3A_306 = vector.shape_cast %get3A_305 : vector<16x1x1x1xf32> to vector<16xf32>
    %swap3A_307 = arith.constant 6 : index
    %swap3A_308 = arith.constant 48 : index
    %swap3A_309 = vector.load %arg6[%swap3A_307, %swap3A_308] : memref<8x128xf32, #tpu.memory_space<vmem>>, vector<1x16xf32>
    %swap3A_310 = vector.shape_cast %swap3A_309 : vector<1x16xf32> to vector<16xf32>
    %swap3A_311 = vector.shape_cast %get3A_306 : vector<16xf32> to vector<1x16xf32>
    tpu.vector_store %arg6[%swap3A_307, %swap3A_308], %swap3A_311 {strides = array<i32>} : memref<8x128xf32, #tpu.memory_space<vmem>>, vector<1x16xf32>,
    %get3A_312 = arith.constant 0 : index
    %get3A_313 = arith.constant 0 : index
    %get3A_314 = arith.constant 2 : index
    %get3A_315 = arith.constant 1 : index
    %get3A_316 = vector.load %arg3[%get3A_312, %get3A_313, %get3A_314, %get3A_315] : memref<16x2x3x2xf32, #tpu.memory_space<vmem>>, vector<16x1x1x1xf32>
    %get3A_317 = vector.shape_cast %get3A_316 : vector<16x1x1x1xf32> to vector<16xf32>
    %swap3A_318 = arith.constant 7 : index
    %swap3A_319 = arith.constant 48 : index
    %swap3A_320 = vector.load %arg6[%swap3A_318, %swap3A_319] : memref<8x128xf32, #tpu.memory_space<vmem>>, vector<1x16xf32>
    %swap3A_321 = vector.shape_cast %swap3A_320 : vector<1x16xf32> to vector<16xf32>
    %swap3A_322 = vector.shape_cast %get3A_317 : vector<16xf32> to vector<1x16xf32>
    tpu.vector_store %arg6[%swap3A_318, %swap3A_319], %swap3A_322 {strides = array<i32>} : memref<8x128xf32, #tpu.memory_space<vmem>>, vector<1x16xf32>,
    %get3A_323 = arith.constant 0 : index
    %get3A_324 = arith.constant 1 : index
    %get3A_325 = arith.constant 0 : index
    %get3A_326 = arith.constant 0 : index
    %get3A_327 = vector.load %arg3[%get3A_323, %get3A_324, %get3A_325, %get3A_326] : memref<16x2x3x2xf32, #tpu.memory_space<vmem>>, vector<16x1x1x1xf32>
    %get3A_328 = vector.shape_cast %get3A_327 : vector<16x1x1x1xf32> to vector<16xf32>
    %swap3A_329 = arith.constant 0 : index
    %swap3A_330 = arith.constant 64 : index
    %swap3A_331 = vector.load %arg6[%swap3A_329, %swap3A_330] : memref<8x128xf32, #tpu.memory_space<vmem>>, vector<1x16xf32>
    %swap3A_332 = vector.shape_cast %swap3A_331 : vector<1x16xf32> to vector<16xf32>
    %swap3A_333 = vector.shape_cast %get3A_328 : vector<16xf32> to vector<1x16xf32>
    tpu.vector_store %arg6[%swap3A_329, %swap3A_330], %swap3A_333 {strides = array<i32>} : memref<8x128xf32, #tpu.memory_space<vmem>>, vector<1x16xf32>,
    %get3A_334 = arith.constant 0 : index
    %get3A_335 = arith.constant 1 : index
    %get3A_336 = arith.constant 0 : index
    %get3A_337 = arith.constant 1 : index
    %get3A_338 = vector.load %arg3[%get3A_334, %get3A_335, %get3A_336, %get3A_337] : memref<16x2x3x2xf32, #tpu.memory_space<vmem>>, vector<16x1x1x1xf32>
    %get3A_339 = vector.shape_cast %get3A_338 : vector<16x1x1x1xf32> to vector<16xf32>
    %swap3A_340 = arith.constant 1 : index
    %swap3A_341 = arith.constant 64 : index
    %swap3A_342 = vector.load %arg6[%swap3A_340, %swap3A_341] : memref<8x128xf32, #tpu.memory_space<vmem>>, vector<1x16xf32>
    %swap3A_343 = vector.shape_cast %swap3A_342 : vector<1x16xf32> to vector<16xf32>
    %swap3A_344 = vector.shape_cast %get3A_339 : vector<16xf32> to vector<1x16xf32>
    tpu.vector_store %arg6[%swap3A_340, %swap3A_341], %swap3A_344 {strides = array<i32>} : memref<8x128xf32, #tpu.memory_space<vmem>>, vector<1x16xf32>,
    %get3A_345 = arith.constant 0 : index
    %get3A_346 = arith.constant 1 : index
    %get3A_347 = arith.constant 1 : index
    %get3A_348 = arith.constant 0 : index
    %get3A_349 = vector.load %arg3[%get3A_345, %get3A_346, %get3A_347, %get3A_348] : memref<16x2x3x2xf32, #tpu.memory_space<vmem>>, vector<16x1x1x1xf32>
    %get3A_350 = vector.shape_cast %get3A_349 : vector<16x1x1x1xf32> to vector<16xf32>
    %swap3A_351 = arith.constant 2 : index
    %swap3A_352 = arith.constant 64 : index
    %swap3A_353 = vector.load %arg6[%swap3A_351, %swap3A_352] : memref<8x128xf32, #tpu.memory_space<vmem>>, vector<1x16xf32>
    %swap3A_354 = vector.shape_cast %swap3A_353 : vector<1x16xf32> to vector<16xf32>
    %swap3A_355 = vector.shape_cast %get3A_350 : vector<16xf32> to vector<1x16xf32>
    tpu.vector_store %arg6[%swap3A_351, %swap3A_352], %swap3A_355 {strides = array<i32>} : memref<8x128xf32, #tpu.memory_space<vmem>>, vector<1x16xf32>,
    %get3A_356 = arith.constant 0 : index
    %get3A_357 = arith.constant 1 : index
    %get3A_358 = arith.constant 1 : index
    %get3A_359 = arith.constant 1 : index
    %get3A_360 = vector.load %arg3[%get3A_356, %get3A_357, %get3A_358, %get3A_359] : memref<16x2x3x2xf32, #tpu.memory_space<vmem>>, vector<16x1x1x1xf32>
    %get3A_361 = vector.shape_cast %get3A_360 : vector<16x1x1x1xf32> to vector<16xf32>
    %swap3A_362 = arith.constant 3 : index
    %swap3A_363 = arith.constant 64 : index
    %swap3A_364 = vector.load %arg6[%swap3A_362, %swap3A_363] : memref<8x128xf32, #tpu.memory_space<vmem>>, vector<1x16xf32>
    %swap3A_365 = vector.shape_cast %swap3A_364 : vector<1x16xf32> to vector<16xf32>
    %swap3A_366 = vector.shape_cast %get3A_361 : vector<16xf32> to vector<1x16xf32>
    tpu.vector_store %arg6[%swap3A_362, %swap3A_363], %swap3A_366 {strides = array<i32>} : memref<8x128xf32, #tpu.memory_space<vmem>>, vector<1x16xf32>,
    %get3A_367 = arith.constant 0 : index
    %get3A_368 = arith.constant 1 : index
    %get3A_369 = arith.constant 2 : index
    %get3A_370 = arith.constant 0 : index
    %get3A_371 = vector.load %arg3[%get3A_367, %get3A_368, %get3A_369, %get3A_370] : memref<16x2x3x2xf32, #tpu.memory_space<vmem>>, vector<16x1x1x1xf32>
    %get3A_372 = vector.shape_cast %get3A_371 : vector<16x1x1x1xf32> to vector<16xf32>
    %swap3A_373 = arith.constant 4 : index
    %swap3A_374 = arith.constant 64 : index
    %swap3A_375 = vector.load %arg6[%swap3A_373, %swap3A_374] : memref<8x128xf32, #tpu.memory_space<vmem>>, vector<1x16xf32>
    %swap3A_376 = vector.shape_cast %swap3A_375 : vector<1x16xf32> to vector<16xf32>
    %swap3A_377 = vector.shape_cast %get3A_372 : vector<16xf32> to vector<1x16xf32>
    tpu.vector_store %arg6[%swap3A_373, %swap3A_374], %swap3A_377 {strides = array<i32>} : memref<8x128xf32, #tpu.memory_space<vmem>>, vector<1x16xf32>,
    %get3A_378 = arith.constant 0 : index
    %get3A_379 = arith.constant 1 : index
    %get3A_380 = arith.constant 2 : index
    %get3A_381 = arith.constant 1 : index
    %get3A_382 = vector.load %arg3[%get3A_378, %get3A_379, %get3A_380, %get3A_381] : memref<16x2x3x2xf32, #tpu.memory_space<vmem>>, vector<16x1x1x1xf32>
    %get3A_383 = vector.shape_cast %get3A_382 : vector<16x1x1x1xf32> to vector<16xf32>
    %swap3A_384 = arith.constant 5 : index
    %swap3A_385 = arith.constant 64 : index
    %swap3A_386 = vector.load %arg6[%swap3A_384, %swap3A_385] : memref<8x128xf32, #tpu.memory_space<vmem>>, vector<1x16xf32>
    %swap3A_387 = vector.shape_cast %swap3A_386 : vector<1x16xf32> to vector<16xf32>
    %swap3A_388 = vector.shape_cast %get3A_383 : vector<16xf32> to vector<1x16xf32>
    tpu.vector_store %arg6[%swap3A_384, %swap3A_385], %swap3A_388 {strides = array<i32>} : memref<8x128xf32, #tpu.memory_space<vmem>>, vector<1x16xf32>,
    %get3A_389 = arith.constant 0 : index
    %get3A_390 = arith.constant 0 : index
    %get3A_391 = arith.constant 0 : index
    %get3A_392 = vector.load %arg4[%get3A_389, %get3A_390, %get3A_391] : memref<16x2x3xf32, #tpu.memory_space<vmem>>, vector<16x1x1xf32>
    %get3A_393 = vector.shape_cast %get3A_392 : vector<16x1x1xf32> to vector<16xf32>
    %swap3A_394 = arith.constant 6 : index
    %swap3A_395 = arith.constant 64 : index
    %swap3A_396 = vector.load %arg6[%swap3A_394, %swap3A_395] : memref<8x128xf32, #tpu.memory_space<vmem>>, vector<1x16xf32>
    %swap3A_397 = vector.shape_cast %swap3A_396 : vector<1x16xf32> to vector<16xf32>
    %swap3A_398 = vector.shape_cast %get3A_393 : vector<16xf32> to vector<1x16xf32>
    tpu.vector_store %arg6[%swap3A_394, %swap3A_395], %swap3A_398 {strides = array<i32>} : memref<8x128xf32, #tpu.memory_space<vmem>>, vector<1x16xf32>,
    %get3A_399 = arith.constant 0 : index
    %get3A_400 = arith.constant 0 : index
    %get3A_401 = arith.constant 1 : index
    %get3A_402 = vector.load %arg4[%get3A_399, %get3A_400, %get3A_401] : memref<16x2x3xf32, #tpu.memory_space<vmem>>, vector<16x1x1xf32>
    %get3A_403 = vector.shape_cast %get3A_402 : vector<16x1x1xf32> to vector<16xf32>
    %swap3A_404 = arith.constant 7 : index
    %swap3A_405 = arith.constant 64 : index
    %swap3A_406 = vector.load %arg6[%swap3A_404, %swap3A_405] : memref<8x128xf32, #tpu.memory_space<vmem>>, vector<1x16xf32>
    %swap3A_407 = vector.shape_cast %swap3A_406 : vector<1x16xf32> to vector<16xf32>
    %swap3A_408 = vector.shape_cast %get3A_403 : vector<16xf32> to vector<1x16xf32>
    tpu.vector_store %arg6[%swap3A_404, %swap3A_405], %swap3A_408 {strides = array<i32>} : memref<8x128xf32, #tpu.memory_space<vmem>>, vector<1x16xf32>,
    %get3A_409 = arith.constant 0 : index
    %get3A_410 = arith.constant 0 : index
    %get3A_411 = arith.constant 2 : index
    %get3A_412 = vector.load %arg4[%get3A_409, %get3A_410, %get3A_411] : memref<16x2x3xf32, #tpu.memory_space<vmem>>, vector<16x1x1xf32>
    %get3A_413 = vector.shape_cast %get3A_412 : vector<16x1x1xf32> to vector<16xf32>
    %swap3A_414 = arith.constant 0 : index
    %swap3A_415 = arith.constant 80 : index
    %swap3A_416 = vector.load %arg6[%swap3A_414, %swap3A_415] : memref<8x128xf32, #tpu.memory_space<vmem>>, vector<1x16xf32>
    %swap3A_417 = vector.shape_cast %swap3A_416 : vector<1x16xf32> to vector<16xf32>
    %swap3A_418 = vector.shape_cast %get3A_413 : vector<16xf32> to vector<1x16xf32>
    tpu.vector_store %arg6[%swap3A_414, %swap3A_415], %swap3A_418 {strides = array<i32>} : memref<8x128xf32, #tpu.memory_space<vmem>>, vector<1x16xf32>,
    %get3A_419 = arith.constant 0 : index
    %get3A_420 = arith.constant 0 : index
    %get3A_421 = vector.load %arg5[%get3A_419, %get3A_420] : memref<16x2xf32, #tpu.memory_space<vmem>>, vector<16x1xf32>
    %get3A_422 = vector.shape_cast %get3A_421 : vector<16x1xf32> to vector<16xf32>
    %swap3A_423 = arith.constant 4 : index
    %swap3A_424 = arith.constant 80 : index
    %swap3A_425 = vector.load %arg6[%swap3A_423, %swap3A_424] : memref<8x128xf32, #tpu.memory_space<vmem>>, vector<1x16xf32>
    %swap3A_426 = vector.shape_cast %swap3A_425 : vector<1x16xf32> to vector<16xf32>
    %swap3A_427 = vector.shape_cast %get3A_422 : vector<16xf32> to vector<1x16xf32>
    tpu.vector_store %arg6[%swap3A_423, %swap3A_424], %swap3A_427 {strides = array<i32>} : memref<8x128xf32, #tpu.memory_space<vmem>>, vector<1x16xf32>,
    %get3A_428 = arith.constant 0 : index
    %get3A_429 = arith.constant 1 : index
    %get3A_430 = arith.constant 0 : index
    %get3A_431 = vector.load %arg4[%get3A_428, %get3A_429, %get3A_430] : memref<16x2x3xf32, #tpu.memory_space<vmem>>, vector<16x1x1xf32>
    %get3A_432 = vector.shape_cast %get3A_431 : vector<16x1x1xf32> to vector<16xf32>
    %swap3A_433 = arith.constant 1 : index
    %swap3A_434 = arith.constant 80 : index
    %swap3A_435 = vector.load %arg6[%swap3A_433, %swap3A_434] : memref<8x128xf32, #tpu.memory_space<vmem>>, vector<1x16xf32>
    %swap3A_436 = vector.shape_cast %swap3A_435 : vector<1x16xf32> to vector<16xf32>
    %swap3A_437 = vector.shape_cast %get3A_432 : vector<16xf32> to vector<1x16xf32>
    tpu.vector_store %arg6[%swap3A_433, %swap3A_434], %swap3A_437 {strides = array<i32>} : memref<8x128xf32, #tpu.memory_space<vmem>>, vector<1x16xf32>,
    %get3A_438 = arith.constant 0 : index
    %get3A_439 = arith.constant 1 : index
    %get3A_440 = arith.constant 1 : index
    %get3A_441 = vector.load %arg4[%get3A_438, %get3A_439, %get3A_440] : memref<16x2x3xf32, #tpu.memory_space<vmem>>, vector<16x1x1xf32>
    %get3A_442 = vector.shape_cast %get3A_441 : vector<16x1x1xf32> to vector<16xf32>
    %swap3A_443 = arith.constant 2 : index
    %swap3A_444 = arith.constant 80 : index
    %swap3A_445 = vector.load %arg6[%swap3A_443, %swap3A_444] : memref<8x128xf32, #tpu.memory_space<vmem>>, vector<1x16xf32>
    %swap3A_446 = vector.shape_cast %swap3A_445 : vector<1x16xf32> to vector<16xf32>
    %swap3A_447 = vector.shape_cast %get3A_442 : vector<16xf32> to vector<1x16xf32>
    tpu.vector_store %arg6[%swap3A_443, %swap3A_444], %swap3A_447 {strides = array<i32>} : memref<8x128xf32, #tpu.memory_space<vmem>>, vector<1x16xf32>,
    %get3A_448 = arith.constant 0 : index
    %get3A_449 = arith.constant 1 : index
    %get3A_450 = arith.constant 2 : index
    %get3A_451 = vector.load %arg4[%get3A_448, %get3A_449, %get3A_450] : memref<16x2x3xf32, #tpu.memory_space<vmem>>, vector<16x1x1xf32>
    %get3A_452 = vector.shape_cast %get3A_451 : vector<16x1x1xf32> to vector<16xf32>
    %swap3A_453 = arith.constant 3 : index
    %swap3A_454 = arith.constant 80 : index
    %swap3A_455 = vector.load %arg6[%swap3A_453, %swap3A_454] : memref<8x128xf32, #tpu.memory_space<vmem>>, vector<1x16xf32>
    %swap3A_456 = vector.shape_cast %swap3A_455 : vector<1x16xf32> to vector<16xf32>
    %swap3A_457 = vector.shape_cast %get3A_452 : vector<16xf32> to vector<1x16xf32>
    tpu.vector_store %arg6[%swap3A_453, %swap3A_454], %swap3A_457 {strides = array<i32>} : memref<8x128xf32, #tpu.memory_space<vmem>>, vector<1x16xf32>,
    %get3A_458 = arith.constant 0 : index
    %get3A_459 = arith.constant 1 : index
    %get3A_460 = vector.load %arg5[%get3A_458, %get3A_459] : memref<16x2xf32, #tpu.memory_space<vmem>>, vector<16x1xf32>
    %get3A_461 = vector.shape_cast %get3A_460 : vector<16x1xf32> to vector<16xf32>
    %swap3A_462 = arith.constant 5 : index
    %swap3A_463 = arith.constant 80 : index
    %swap3A_464 = vector.load %arg6[%swap3A_462, %swap3A_463] : memref<8x128xf32, #tpu.memory_space<vmem>>, vector<1x16xf32>
    %swap3A_465 = vector.shape_cast %swap3A_464 : vector<1x16xf32> to vector<16xf32>
    %swap3A_466 = vector.shape_cast %get3A_461 : vector<16xf32> to vector<1x16xf32>
    tpu.vector_store %arg6[%swap3A_462, %swap3A_463], %swap3A_466 {strides = array<i32>} : memref<8x128xf32, #tpu.memory_space<vmem>>, vector<1x16xf32>,
    return
  }
}

</mosaic_0001>

<sc_bundles>
// kernel: kernel.4.cloned.1.call-start
scs
__scs_entry_jumppad:
0x0: {  	(pc) =	sbr.rel $0x88, $3  }
0x1: {  	(tag) =	ssettag $0x0;
	lr =	simm.s32 $0x1  }
0x2: {  	[smem:$0x3F9B] =	sst lr;
	_ =	strace $0xD0000000  }
0x3: {  	_ = 	snop  }
0x4: {  	_ = 	snop  }
0x5: {  	_ = 	snop  }
0x6: {  	_ = 	snop  }
0x7: {  	_ = 	snop  }
__scs_overlays_trampoline_lowered:
0x8: {  	[smem:$0x3FAA] =	sst s0  }
0x9: {  	[smem:$0x3FAB] =	sst s1  }
0xa: {  	[smem:$0x3FAC] =	sst s2  }
0xb: {  	[smem:$0x3FAD] =	sst s3  }
0xc: {  	[smem:$0x3FAE] =	sst s4  }
0xd: {  	[smem:$0x3FAF] =	sst s5  }
0xe: {  	[smem:$0x3FB0] =	sst s6  }
0xf: {  	[smem:$0x3FB1] =	sst s7  }
0x10: {  	[smem:$0x3FB2] =	sst s8  }
0x11: {  	[smem:$0x3FB3] =	sst s9;
	s0 =	simm.s32 @!p0 $0x0  }
0x12: {  	s1 =	sld [smem:$0x3F99];
	s0 =	simm.s32 @p0 $0x1  }
0x13: {  	[smem:$0x3FB4] =	sst s0;
	s0 =	simm.s32 @!p1 $0x0  }
0x14: {  	s2 =	sld [smem:$0x3F98];
	s0 =	simm.s32 @p1 $0x1  }
0x15: {  	[smem:$0x3FB5] =	sst s0;
	s0 =	simm.s32 @!p2 $0x0  }
0x16: {  	s3 =	sld [smem:$0x3FDB];
	s0 =	simm.s32 @p2 $0x1  }
0x17: {  	s4 =	simm.s32 $0x1BF5;
	[smem:$0x3FB7] =	sst s0  }
0x18: {  	s0 =	sld [smem:$0x3F9A];
	_ =	swait.ge [sflag:s4], $0x0  }
0x19: {  	s7 =	sld [smem:$0x3F9B]  }
0x1a: {  	s8 =	sadd.s32 $0xFFFFE003, lr  }
0x1b: {  	s9 =	sadd.s32 $0xFFFFFEF7, lr;
	s5 =	simm.s32 $0xFFFFFFFF;
	p2 =	slt.u32 s8, $0xFFFFF086  }
0x1c: {  	p1 =	slt.u32 s9, $0xF7A;
	s5 =	simm.s32 @!p2 $0x0  }
0x1d: {  	s5 =	simm.s32 @p1 $0x1;
	p0 =	seq.s32 s7, s2  }
0x1e: {  	s7 =	smul.u32 @!p0 $0xF7A, s2;
	p2 =	seq.s32 @!p0 s5, $0x0  }
0x1f: {  	s9 =	smul.u32 $0xF7A, s1;
	s8 =	simm.s32 @!p0 $0x1BF5;
	p2 =	por !p2, p0  }
0x20: {  	[sflag:s8] =	ssyncset.s32 @!p0 $0xFFFFF086;
	s6 =	sadd.s32 @!p0 s3, s7;
	s7 =	simm.s32 @!p0 $0x108  }
0x21: {  	s3 =	sadd.s32 s3, s9;
	s6 =	sadd.s32 @!p0 $0x88, s6;
	s7 =	simm.s32 @p2 $0x1082  }
0x22: {  	[simem:s7], [sflag:s8] =	dma.local @!p0 [hbm:s6], $0xF7A  }
0x23: {  	s9 =	sor.u32 $0xD0000000, s2;
	s6 =	simm.s32 $0x108;
	_ =	swait.ge @!p0 [sflag:s8], $0x0  }
0x24: {  	s3 =	sadd.s32 $0x88, s3;
	s6 =	simm.s32 @!p1 $0x1082;
	[sflag:s4] =	ssyncset.s32 $0xFFFFF086  }
0x25: {  	[simem:s6], [sflag:s4] =	dma.local [hbm:s3], $0xF7A  }
0x26: {  	[smem:$0x3F9B] =	sst s1;
	(tag) =	ssettag s2;
	_ =	strace s9  }
0x27: {  	s1 =	sld [smem:$0x3FAB]  }
0x28: {  	s2 =	sld [smem:$0x3FAC]  }
0x29: {  	s4 =	sld [smem:$0x3FAE]  }
0x2a: {  	p0 =	seq.s32 s5, $0x0;
	s5 =	sld [smem:$0x3FAF]  }
0x2b: {  	s6 =	sld [smem:$0x3FB0]  }
0x2c: {  	s7 =	sld [smem:$0x3FB1]  }
0x2d: {  	s3 =	simm.s32 $0x108;
	s8 =	sld [smem:$0x3FB2]  }
0x2e: {  	s3 =	simm.s32 @!p0 $0x1082;
	s9 =	sld [smem:$0x3FB3]  }
0x2f: {  	lr =	sadd.s32 s0, s3;
	s0 =	sld [smem:$0x3FAA]  }
0x30: {  	s3 =	sld [smem:$0x3FAD]  }
0x31: {  	[smem:$0x3FB6] =	sst s10  }
0x32: {  	s10 =	sld [smem:$0x3FB4];
	_ =	sdelay $0x3  }
0x33: {  	p0 =	seq.s32 s10, $0x1;
	s10 =	sld [smem:$0x3FB6];
	_ =	sdelay $0x3  }
0x34: {  	[smem:$0x3FB6] =	sst s10  }
0x35: {  	s10 =	sld [smem:$0x3FB5];
	_ =	sdelay $0x3  }
0x36: {  	p1 =	seq.s32 s10, $0x1;
	s10 =	sld [smem:$0x3FB6];
	_ =	sdelay $0x3  }
0x37: {  	[smem:$0x3FB6] =	sst s10  }
0x38: {  	s10 =	sld [smem:$0x3FB7]  }
0x39: {  	_ = 	snop;
	(pc) =	sbr.ind lr, $3  }
0x3a: {  	_ = 	snop  }
0x3b: {  	_ = 	snop  }
0x3c: {  	p2 =	seq.s32 s10, $0x1;
	s10 =	sld [smem:$0x3FB6]  }
0x3d: {  	_ =	shalt  }
0x3e: {  	_ =	shalt  }
0x3f: {  	_ =	shalt  }
0x40: {  	_ =	shalt  }
0x41: {  	_ =	shalt  }
0x42: {  	_ =	shalt  }
0x43: {  	_ =	shalt  }
0x44: {  	_ =	shalt  }
0x45: {  	_ =	shalt  }
0x46: {  	_ =	shalt  }
0x47: {  	_ =	shalt  }
0x48: {  	_ =	shalt  }
0x49: {  	_ =	shalt  }
0x4a: {  	_ =	shalt  }
0x4b: {  	_ =	shalt  }
0x4c: {  	_ =	shalt  }
0x4d: {  	_ =	shalt  }
0x4e: {  	_ =	shalt  }
0x4f: {  	_ =	shalt  }
0x50: {  	_ =	shalt  }
0x51: {  	_ =	shalt  }
0x52: {  	_ =	shalt  }
0x53: {  	_ =	shalt  }
0x54: {  	_ =	shalt  }
0x55: {  	_ =	shalt  }
0x56: {  	_ =	shalt  }
0x57: {  	_ =	shalt  }
0x58: {  	_ =	shalt  }
0x59: {  	_ =	shalt  }
0x5a: {  	_ =	shalt  }
0x5b: {  	_ =	shalt  }
0x5c: {  	_ =	shalt  }
0x5d: {  	_ =	shalt  }
0x5e: {  	_ =	shalt  }
0x5f: {  	_ =	shalt  }
0x60: {  	_ =	shalt  }
0x61: {  	_ =	shalt  }
0x62: {  	_ =	shalt  }
0x63: {  	_ =	shalt  }
0x64: {  	_ =	shalt  }
0x65: {  	_ =	shalt  }
0x66: {  	_ =	shalt  }
0x67: {  	_ =	shalt  }
0x68: {  	_ =	shalt  }
0x69: {  	_ =	shalt  }
0x6a: {  	_ =	shalt  }
0x6b: {  	_ =	shalt  }
0x6c: {  	_ =	shalt  }
0x6d: {  	_ =	shalt  }
0x6e: {  	_ =	shalt  }
0x6f: {  	_ =	shalt  }
0x70: {  	_ =	shalt  }
0x71: {  	_ =	shalt  }
0x72: {  	_ =	shalt  }
0x73: {  	_ =	shalt  }
0x74: {  	_ =	shalt  }
0x75: {  	_ =	shalt  }
0x76: {  	_ =	shalt  }
0x77: {  	_ =	shalt  }
0x78: {  	_ =	shalt  }
0x79: {  	_ =	shalt  }
0x7a: {  	_ =	shalt  }
0x7b: {  	_ =	shalt  }
0x7c: {  	_ =	shalt  }
0x7d: {  	_ =	shalt  }
0x7e: {  	_ =	shalt  }
0x7f: {  	_ =	shalt  }
0x80: {  	_ =	shalt  }
0x81: {  	_ =	shalt  }
0x82: {  	_ =	shalt  }
0x83: {  	_ =	shalt  }
0x84: {  	_ =	shalt  }
0x85: {  	_ =	shalt  }
0x86: {  	_ =	shalt  }
0x87: {  	_ =	shalt  }
.Lfunc_end0:
.L_simem_size_0:
called_computation_lowered:
.L_overlay_start_0:
0x88: {  	s0 =	sld [smem:$0x3FD9]  }
0x89: {  	s1 =	sld [smem:$0x3FFE];
	_ =	sdelay $0x3  }
0x8a: {  	s0 =	sadd.s32 s1, s0  }
0x8b: {  	[smem:$0x3FC2] =	sst s0  }
0x8c: {  	_ = 	snop  }
0x8d: {  	s0 =	sld [smem:$0x3FD0];
	(tm) =	ssettm $0x1  }
0x8e: {  	s16 =	sld [smem:$0x3FFB];
	_ =	sdelay $0x3  }
0x8f: {  	_ =	strace s16  }
0x90: {  	s1 =	sld [smem:$0x3FFC];
	_ =	sdelay $0x3  }
0x91: {  	_ =	strace s1  }
0x92: {  	s1 =	sld [smem:$0x3FFD];
	_ =	sdelay $0x3  }
0x93: {  	_ =	strace s1  }
0x94: {  	_ =	strace $0x8FFFFFFF  }
0x95: {  	s17 =	sld [smem:$0x3FDB];
	_ =	sdelay $0x1  }
0x96: {  	s2 =	simm.s32 $_scs_section_size  }
0x97: {  	s3 =	simm.s32 $_size__tile_overlayer_lowered;
	s4 =	simm.s32 $_tile_overlayer_lowered  }
0x98: {  	s20 =	simm.s32 $0x1BFF;
	s19 =	sshll.u32 s4, $0x1;
	s1 =	sadd.s32 s2, s17  }
0x99: {  	s5 =	simm.s32 $0x0;
	s18 =	sshll.u32 s3, $0x1;
	s3 =	sadd.s32 s19, s1  }
0x9a: {  	[timem:s5], [sflag:s20] =	dma.local [hbm:s3], s18  }
0x9b: {  	_ =	swait.ge [sflag:s20], s18  }
0x9c: {  	s2 =	ssub.s32 $0x0, s18;
	[sflag:s20] =	ssyncset.done $0x0  }
0x9d: {  	[sflag:s20] =	ssyncadd.s32 s2;
	_ =	sdelay $0x1  }
0x9e: {  	s21 =	simm.s32 $0x1B8B  }
0x9f: {  	_ =	swait.ge [sflag:s21], $0x1  }
0xa0: {  	[sflag:s21] =	ssyncset.done $0x0  }
0xa1: {  	s23 =	simm.s32 $0x1B8E;
	s22 =	sld [smem:$0x3FFE];
	[sflag:s21] =	ssyncadd.s32 $0xFFFFFFFF  }
0xa2: {  	s24 =	simm.s32 $execute0_lowered;
	[smem:$0x3FD2] =	sst s23  }
0xa3: {  	s3 =	sshll.u32 s24, $0x1;
	_ =	strace $0x80000046;
	[dreg:$0x1] =	wrdreg $0xFFFFFFFF  }
0xa4: {  	s25 =	simm.s32 $_size_execute0_lowered;
	s1 =	sadd.s32 s1, s3;
	[dreg:$0x0] =	wrdreg $0x0  }
0xa5: {  	s3 =	sshll.u32 s25, $0x1;
	[dreg:$0x2] =	wrdreg s1  }
0xa6: {  	[dreg:$0x3] =	wrdreg s3  }
0xa7: {  	[dreg:$0x4] =	wrdreg $0xC0  }
0xa8: {  	_ =	task [dreg:s5], $0x5FFFF  }
0xa9: {  	[dreg:$0x1] =	wrdreg $0xFFFFFFFF  }
0xaa: {  	[dreg:$0x0] =	wrdreg $0x60  }
0xab: {  	[dreg:$0x2] =	wrdreg s22  }
0xac: {  	[dreg:$0x3] =	wrdreg s0  }
0xad: {  	[dreg:$0x4] =	wrdreg $0x9  }
0xae: {  	_ =	task.clear_ibuf [dreg:s5], $0x5FFFF;
	_ =	strace $0x90000046  }
0xaf: {  	s26 =	simm.s32 $0x9;
	_ =	strace $0x80000048  }
0xb0: {  	_ =	swait.ge [sflag:s26], $0x1  }
0xb1: {  	[sflag:s26] =	ssyncadd.s32 $0xFFFFFFFF  }
0xb2: {  	_ =	strace $0x90000048  }
0xb3: {  	_ =	sfence  }
0xb4: {  	s28 =	sld [smem:$0x0];
	_ =	sdelay $0x1  }
0xb5: {  	s29 =	srdreg.scid  }
0xb6: {  	s30 =	sshll.u32 s29, $0xD;
	s31 =	sshrl.u32 s29, $0x2  }
0xb7: {  	s2 =	sand.u32 $0x4000, s30;
	s1 =	sand.u32 $0x1, s29;
	s0 =	sadd.s32 s31, s28  }
0xb8: {  	s1 =	sor.u32 s2, s1;
	s0 =	sshll.u32 s0, $0x11  }
0xb9: {  	s0 =	sor.u32 s0, s1  }
0xba: {  	s0 =	sadd.s32 $0x8F2B, s0  }
0xbb: {  	[sflag:s0] =	ssyncadd.remote.s32 $0x1  }
0xbc: {  	_ =	sfence.sel $0xFFFF  }
0xbd: {  	[dreg:$0x0] =	wrdreg $0xFFFFFFFF;
	(pc) =	sbr.abs _section_cstart, $3  }
0xbe: {  	[dreg:$0x1] =	wrdreg $0xFFFFFFFF  }
0xbf: {  	_ =	task.clear_ibuf [dreg:s5], $0x2FFFF;
	_ =	strace $0x9FFFFFFF  }
0xc0: {  	(tm) =	ssettm $0x7FFFFFFF  }
0xc1: {  	_ =	shalt  }
tec
execute0_lowered:
.L_overlay_start_1:
0x0: {  	(tag) =	ssettag $0x1  }
0x1: {  	s3 =	stileid.u32  }
0x2: {  	p0 =	sne.s32 s3, $0x0  }
.Ltmp0:
0x3: {  	_ = 	snop;
	(pc) =	sbr.rel @p0 .LBB2_2-.Ltmp0, $4  }
0x4: {  	_ = 	snop  }
0x5: {  	s2 =	rddreg [dreg:$0x0]  }
0x6: {  	s1 =	rddreg [dreg:$0x1]  }
0x7: {  	s0 =	rddreg [dreg:$0x2];
	_ =	strace $0x80000047  }
0x8: {  	s2 =	sadd.s32 $0x1200, s2;
	s3 =	simm.s32 $0x0;
	s31 =	simm.s32 $0x1  }
0x9: {  	[tilespmem:s3], [sflag:$0x1] =	stream.linear.gather [hbm4b:s2+s3], $0x400, $0x38;
	[tilespmem:$0x480] =	vst v63  }
0xa: {  	_ =	swait.ge [sflag:s31], $0x400  }
0xb: {  	[sflag:s31] =	ssyncset.done $0x0  }
0xc: {  	[sflag:s31] =	ssyncadd.s32 $0xFFFFFC00  }
0xd: {  	v6 =	vld [tilespmem:$0x120];
	_ =	sdelay $0x4  }
0xe: {  	v0 =	vadd.f32 $-5.000000000e-01, v6;
	_ =	sdelay $0x1  }
0xf: {  	v0 =	vmul.f32 $-1.000000000e+01, v0;
	_ =	sdelay $0x1  }
0x10: {  	v0 =	vmul.f32 $1.442695020e+00, v0;
	_ =	sdelay $0x1  }
0x11: {  	(erf) = vpow2.f32 v0;
	_ =	sdelay $0x1  }
0x12: {  	v5 =	vld [tilespmem:$0x1A0];
	_ =	sdelay $0x4  }
0x13: {  	v28 =	vadd.f32 $-5.000000000e-01, v5;
	_ =	sdelay $0x1  }
0x14: {  	v0 =	vmul.f32 $-1.000000000e+01, v28;
	v1 =	vpop (erf)  }
0x15: {  	v1 =	vadd.f32 $1.000000000e+00, v1  }
0x16: {  	v0 =	vmul.f32 $1.442695020e+00, v0  }
0x17: {  	(erf) = vrcp.f32 v1  }
0x18: {  	(erf) = vpow2.f32 v0;
	_ =	sdelay $0x1  }
0x19: {  	v1 =	vld [tilespmem:$0x220];
	_ =	sdelay $0x2  }
0x1a: {  	v24 =	vld [tilespmem:$0x0]  }
0x1b: {  	v25 =	vld [tilespmem:$0x80]  }
0x1c: {  	v26 =	vld [tilespmem:$0x320];
	v29 =	vadd.f32 $-5.000000000e-01, v1  }
0x1d: {  	v27 =	vld [tilespmem:$0x100];
	v21 =	vpop (erf)  }
0x1e: {  	v12 =	vld [tilespmem:$0x200];
	v0 =	vmul.f32 $-1.000000000e+01, v29;
	v2 =	vpop (erf)  }
0x1f: {  	v13 =	vld [tilespmem:$0x280];
	v2 =	vadd.f32 $1.000000000e+00, v2  }
0x20: {  	v9 =	vld [tilespmem:$0x300];
	v0 =	vmul.f32 $1.442695020e+00, v0  }
0x21: {  	v28 =	vld [tilespmem:$0x3A0];
	(erf) = vrcp.f32 v2  }
0x22: {  	v10 =	vld [tilespmem:$0x380];
	(erf) = vpow2.f32 v0  }
0x23: {  	v0 =	vld [tilespmem:$0x2A0]  }
0x24: {  	v31 =	vsub.f32 v26, v24;
	v4 =	vsub.f32 v26, v27;
	v29 =	vld [tilespmem:$0x180]  }
0x25: {  	v38 =	vsub.f32 v26, v12;
	v16 =	vsub.f32 v26, v9  }
0x26: {  	v32 =	vmul.f32 v31, v31;
	v35 =	vmul.f32 v4, v4;
	v33 =	vsub.f32 v28, v25  }
0x27: {  	v15 =	vmul.f32 v38, v38;
	v11 =	vsub.f32 v28, v13;
	v17 =	vsub.f32 v28, v10  }
0x28: {  	v41 =	vmul.f32 v16, v16;
	v34 =	vmul.f32 v33, v33;
	v30 =	vadd.f32 $-5.000000000e-01, v0  }
0x29: {  	v11 =	vmul.f32 v11, v11;
	v42 =	vmul.f32 v17, v17;
	v7 =	vsub.f32 v28, v29  }
0x2a: {  	v8 =	vmul.f32 v21, v32;
	v2 =	vmul.f32 $-1.000000000e+01, v30;
	v23 =	vpop (erf)  }
0x2b: {  	v16 =	vld [tilespmem:$0xB0];
	v14 =	vmul.f32 v21, v35;
	v36 =	vmul.f32 v7, v7;
	v3 =	vpop (erf)  }
0x2c: {  	v15 =	vmul.f32 v21, v15;
	v2 =	vmul.f32 $1.442695020e+00, v2;
	v3 =	vadd.f32 $1.000000000e+00, v3  }
0x2d: {  	v37 =	vmul.f32 v23, v34;
	v4 =	vmul.f32 v23, v36  }
0x2e: {  	vm5 =	vgt.f32 v6, $5.000000000e-01;
	v17 =	vld [tilespmem:$0x390];
	v11 =	vmul.f32 v23, v11;
	(erf) = vrcp.f32 v3  }
0x2f: {  	v7 =	vadd.f32 v37, v8;
	v39 =	vadd.f32 v4, v14;
	v4 =	vld [tilespmem:$0x90];
	(erf) = vpow2.f32 v2  }
0x30: {  	vm7 =	vgt.f32 v5, $5.000000000e-01;
	v49 =	vsub.f32 v16, v25;
	v19 =	vmul.f32 v21, v41;
	v8 =	vld [tilespmem:$0x110]  }
0x31: {  	v11 =	vadd.f32 v11, v15;
	v15 =	vmul.f32 v23, v42;
	v2 =	vld [tilespmem:$0x10];
	vm0 =	vlt.f32 v39, v7  }
0x32: {  	v63 =	vsub.f32 v16, v13;
	v34 =	vsub.f32 v16, v29;
	v7 =	vsel vm0, v39, v7  }
0x33: {  	v59 =	vsub.f32 v28, v17;
	v45 =	vadd.f32 v15, v19;
	v15 =	vld [tilespmem:$0x210];
	vm1 =	vlt.f32 v11, v7  }
0x34: {  	v34 =	vmul.f32 v34, v34;
	v43 =	vsel vm0, v27, v24;
	v30 =	vsel vm1, v11, v7;
	v7 =	vld [tilespmem:$0x190]  }
0x35: {  	v22 =	vsel vm0, v29, v25;
	v20 =	vsub.f32 v28, v4;
	v31 =	vsel vm1, v12, v43  }
0x36: {  	v36 =	vsub.f32 v26, v8;
	v11 =	vld [tilespmem:$0x290];
	vm11 =	vlt.f32 v45, v30;
	v18 =	vsub.f32 v26, v2  }
0x37: {  	v52 =	vsel vm1, v13, v22;
	v46 =	vmul.f32 v20, v20;
	v30 =	vsel vm11, v45, v30;
	v3 =	vpop (erf)  }
0x38: {  	v50 =	vmul.f32 v36, v36;
	v55 =	vsub.f32 v26, v15;
	v44 =	vmul.f32 v18, v18;
	v40 =	vpop (erf)  }
0x39: {  	v31 =	vsel vm11, v9, v31;
	v37 =	vsub.f32 v28, v7;
	v14 =	vadd.f32 $1.000000000e+00, v40  }
0x3a: {  	v61 =	vsel vm11, v10, v52;
	v32 =	vmul.f32 v23, v46;
	v47 =	vmul.f32 v21, v44  }
0x3b: {  	v56 =	vsub.f32 v28, v11;
	v51 =	vmul.f32 v37, v37;
	(erf) = vrcp.f32 v14;
	v14 =	vld [tilespmem:$0x30]  }
0x3c: {  	v18 =	vmul.f32 v49, v49;
	v53 =	vmul.f32 v21, v50;
	v19 =	vadd.f32 v32, v47  }
0x3d: {  	v45 =	vsub.f32 v16, v4;
	v57 =	vmul.f32 v56, v56;
	v54 =	vmul.f32 v23, v51  }
0x3e: {  	v40 =	vsub.f32 v16, v10;
	v56 =	vsub.f32 v16, v17;
	vm12 =	vlt.f32 v19, v30  }
0x3f: {  	v47 =	vsub.f32 v16, v7;
	v30 =	vsel vm12, v19, v30;
	v32 =	vadd.f32 v54, v53;
	v19 =	vld [tilespmem:$0xA0]  }
0x40: {  	v36 =	vsel vm12, v4, v61;
	v48 =	vsub.f32 v14, v24;
	v33 =	vsub.f32 v14, v27  }
0x41: {  	v54 =	vsub.f32 v16, v11;
	v61 =	vmul.f32 v56, v56;
	vm13 =	vlt.f32 v32, v30  }
0x42: {  	v62 =	vsub.f32 v14, v12;
	v35 =	vmul.f32 v48, v48;
	v33 =	vmul.f32 v33, v33  }
0x43: {  	v30 =	vsel vm13, v32, v30;
	v39 =	vsub.f32 v14, v9;
	v50 =	vsub.f32 v14, v15  }
0x44: {  	v16 =	vsub.f32 v16, v19;
	v20 =	vpop (erf);
	v35 =	vmul.f32 v3, v35;
	v33 =	vmul.f32 v3, v33  }
0x45: {  	v44 =	vsub.f32 v14, v2;
	v38 =	vmul.f32 v20, v18;
	v34 =	vmul.f32 v20, v34;
	v18 =	vld [tilespmem:$0x310]  }
0x46: {  	v28 =	vsub.f32 v28, v19;
	v53 =	vmul.f32 v50, v50;
	v16 =	vmul.f32 v16, v16  }
0x47: {  	v22 =	vld [tilespmem:$0x20];
	v35 =	vadd.f32 v38, v35;
	v33 =	vadd.f32 v34, v33;
	v34 =	vmul.f32 v55, v55  }
0x48: {  	v46 =	vsub.f32 v14, v8;
	v28 =	vmul.f32 v28, v28;
	v16 =	vmul.f32 v20, v16  }
0x49: {  	v38 =	vsel vm13, v7, v36;
	vm2 =	vlt.f32 v33, v35;
	v34 =	vmul.f32 v21, v34  }
0x4a: {  	v33 =	vsel vm2, v33, v35;
	v24 =	vsel vm2, v27, v24;
	v58 =	vsub.f32 v26, v18  }
0x4b: {  	v25 =	vsel vm2, v29, v25;
	v35 =	vmul.f32 v23, v57;
	v29 =	vmul.f32 v59, v59  }
0x4c: {  	v26 =	vsub.f32 v26, v22;
	v55 =	vsub.f32 v14, v18;
	v59 =	vmul.f32 v54, v54  }
0x4d: {  	v14 =	vsub.f32 v14, v22;
	v27 =	vmul.f32 v58, v58;
	v29 =	vmul.f32 v23, v29  }
0x4e: {  	v60 =	vadd.f32 v35, v34;
	v26 =	vmul.f32 v26, v26;
	v23 =	vmul.f32 v23, v28  }
0x4f: {  	v35 =	vsel vm12, v2, v31;
	v58 =	vmul.f32 v3, v53;
	v14 =	vmul.f32 v14, v14  }
0x50: {  	v37 =	vsel vm13, v8, v35;
	v27 =	vmul.f32 v21, v27;
	vm14 =	vlt.f32 v60, v30  }
0x51: {  	v21 =	vmul.f32 v21, v26;
	v26 =	vmul.f32 v62, v62;
	v30 =	vsel vm14, v60, v30  }
0x52: {  	v28 =	vsel vm14, v11, v38;
	v60 =	vmul.f32 v55, v55;
	v27 =	vadd.f32 v29, v27  }
0x53: {  	v29 =	vmul.f32 v63, v63;
	v21 =	vadd.f32 v23, v21;
	v26 =	vmul.f32 v3, v26  }
0x54: {  	v23 =	vsel vm14, v15, v37;
	vm14 =	vgt.f32 v1, $5.000000000e-01;
	vm15 =	vlt.f32 v27, v30  }
0x55: {  	v29 =	vmul.f32 v20, v29;
	v27 =	vsel vm15, v27, v30;
	v23 =	vsel vm15, v18, v23  }
0x56: {  	v42 =	vsel vm15, v17, v28;
	v28 =	vmul.f32 v47, v47;
	vm4 =	vlt.f32 v21, v27  }
0x57: {  	v41 =	vld [tilespmem:$0x130];
	v26 =	vadd.f32 v29, v26;
	v21 =	vmul.f32 v39, v39;
	v27 =	vmul.f32 v40, v40  }
0x58: {  	v57 =	vld [tilespmem:$0x1B0];
	vm15 =	vgt.f32 v0, $5.000000000e-01;
	v23 =	vsel vm4, v22, v23;
	v6 =	vsel vm4, v19, v42  }
0x59: {  	v62 =	vld [tilespmem:$0x230];
	vm6 =	vlt.f32 v26, v33;
	v21 =	vmul.f32 v3, v21;
	v27 =	vmul.f32 v20, v27  }
0x5a: {  	v31 =	vld [tilespmem:$0x330];
	v49 =	vmul.f32 v20, v28;
	v23 =	vnsel vm5, $0x0, v23;
	v12 =	vsel vm6, v12, v24  }
0x5b: {  	v63 =	vld [tilespmem:$0x2B0];
	v24 =	vmul.f32 v44, v44;
	v21 =	vadd.f32 v27, v21;
	v27 =	vmul.f32 v45, v45  }
0x5c: {  	v43 =	vmul.f32 v23, v41;
	v13 =	vsel vm6, v13, v25;
	v25 =	vmul.f32 v46, v46  }
0x5d: {  	v6 =	vnsel vm7, $0x0, v6;
	v24 =	vmul.f32 v3, v24;
	v48 =	vmul.f32 v20, v27  }
0x5e: {  	v26 =	vsel vm6, v26, v33;
	v30 =	vmul.f32 v6, v57;
	v36 =	vmul.f32 v23, v62  }
0x5f: {  	v32 =	vld [tilespmem:$0x3B0];
	v25 =	vmul.f32 v3, v25;
	vm8 =	vlt.f32 v21, v26;
	v51 =	vadd.f32 v48, v24  }
0x60: {  	v42 =	vmul.f32 v6, v63;
	v46 =	vmul.f32 v23, v31;
	v21 =	vsel vm8, v21, v26  }
0x61: {  	v52 =	vadd.f32 v49, v25;
	v24 =	vmul.f32 v20, v59;
	vm9 =	vlt.f32 v51, v21  }
0x62: {  	v9 =	vsel vm8, v9, v12;
	v25 =	vmul.f32 v3, v60;
	v12 =	vsel vm9, v51, v21  }
0x63: {  	v26 =	vmul.f32 v20, v61;
	v21 =	vadd.f32 v24, v58;
	vm10 =	vlt.f32 v52, v12  }
0x64: {  	v50 =	vld [tilespmem:$0xD0];
	v6 =	vmul.f32 v6, v32;
	v5 =	vadd.f32 $0.0e+00, v43;
	v12 =	vsel vm10, v52, v12  }
0x65: {  	v34 =	vld [tilespmem:$0x40];
	v3 =	vmul.f32 v3, v14;
	v25 =	vadd.f32 v26, v25;
	vm11 =	vlt.f32 v21, v12  }
0x66: {  	v53 =	vld [tilespmem:$0x150];
	v10 =	vsel vm8, v10, v13;
	v2 =	vsel vm9, v2, v9;
	v33 =	vsel vm11, v21, v12  }
0x67: {  	v35 =	vld [tilespmem:$0xC0];
	v3 =	vadd.f32 v16, v3;
	v2 =	vsel vm10, v8, v2;
	vm12 =	vlt.f32 v25, v33  }
0x68: {  	v37 =	vld [tilespmem:$0x140];
	v4 =	vsel vm9, v4, v10;
	v2 =	vsel vm11, v15, v2;
	v9 =	vsel vm12, v25, v33  }
0x69: {  	v38 =	vld [tilespmem:$0x1C0];
	v4 =	vsel vm10, v7, v4;
	v2 =	vsel vm12, v18, v2;
	vm13 =	vlt.f32 v3, v9  }
0x6a: {  	v39 =	vld [tilespmem:$0x240];
	v41 =	vadd.f32 $0.0e+00, v36;
	v4 =	vsel vm11, v11, v4;
	v2 =	vsel vm13, v22, v2  }
0x6b: {  	v47 =	vld [tilespmem:$0x3C0];
	v5 =	vadd.f32 v5, v30;
	v4 =	vsel vm12, v17, v4;
	v2 =	vnsel vm14, $0x0, v2  }
0x6c: {  	v40 =	vld [tilespmem:$0x2C0];
	v11 =	vadd.f32 $0.0e+00, v46;
	v4 =	vsel vm13, v19, v4;
	v44 =	vmul.f32 v2, v34  }
0x6d: {  	v45 =	vld [tilespmem:$0x340];
	v9 =	vadd.f32 v41, v42;
	v4 =	vnsel vm15, $0x0, v4;
	v49 =	vmul.f32 v2, v37  }
0x6e: {  	v43 =	vld [tilespmem:$0x250];
	v6 =	vadd.f32 v11, v6;
	v48 =	vmul.f32 v4, v35;
	v0 =	vadd.f32 v44, v5  }
0x6f: {  	v51 =	vld [tilespmem:$0x2D0];
	v3 =	vmul.f32 v4, v38;
	v1 =	vmul.f32 v2, v39;
	v52 =	vadd.f32 v49, v9  }
0x70: {  	v54 =	vld [tilespmem:$0x50];
	v0 =	vadd.f32 v0, v48  }
0x71: {  	v56 =	vld [tilespmem:$0x1D0];
	v4 =	vmul.f32 v4, v40;
	v1 =	vadd.f32 v1, v6;
	v3 =	vadd.f32 v52, v3  }
0x72: {  	v55 =	vmul.f32 v0, v45;
	v0 =	vmul.f32 v0, v50  }
0x73: {  	v1 =	vadd.f32 v1, v4;
	v57 =	vmul.f32 v3, v47  }
0x74: {  	v3 =	vmul.f32 v3, v53;
	v5 =	vadd.f32 v55, v43;
	v0 =	vadd.f32 v0, v51  }
0x75: {  	v2 =	vmul.f32 v1, v54  }
0x76: {  	v1 =	vmul.f32 v1, v56;
	v58 =	vadd.f32 v5, v57;
	v0 =	vadd.f32 v0, v3;
	_ =	sdelay $0x1  }
0x77: {  	v2 =	vadd.f32 v58, v2;
	v0 =	vadd.f32 v0, v1;
	_ =	sdelay $0x1  }
0x78: {  	v59 =	vmul.f32 v2, v2;
	v0 =	vmul.f32 v0, v0;
	_ =	sdelay $0x1  }
0x79: {  	v0 =	vadd.f32 v0, v59;
	_ =	sdelay $0x1  }
0x7a: {  	v1 =	vshra.s32 v0, $0x1;
	v60 =	vmul.f32 $5.000000000e-01, v0  }
0x7b: {  	v1 =	vsub.s32 $0x5F3759DF, v1  }
0x7c: {  	v61 =	vmul.f32 v1, v60;
	_ =	sdelay $0x1  }
0x7d: {  	v3 =	vmul.f32 v1, v61;
	_ =	sdelay $0x1  }
0x7e: {  	v3 =	vsub.f32 $1.500000000e+00, v3;
	_ =	sdelay $0x1  }
0x7f: {  	v1 =	vmul.f32 v1, v3;
	_ =	sdelay $0x1  }
0x80: {  	v3 =	vmul.f32 v1, v60;
	_ =	sdelay $0x1  }
0x81: {  	v3 =	vmul.f32 v3, v1;
	_ =	sdelay $0x1  }
0x82: {  	v3 =	vsub.f32 $1.500000000e+00, v3;
	_ =	sdelay $0x1  }
0x83: {  	v1 =	vmul.f32 v3, v1;
	_ =	sdelay $0x1  }
0x84: {  	v2 =	vmul.f32 v1, v60;
	_ =	sdelay $0x1  }
0x85: {  	v2 =	vmul.f32 v2, v1;
	_ =	sdelay $0x1  }
0x86: {  	v2 =	vsub.f32 $1.500000000e+00, v2;
	_ =	sdelay $0x1  }
0x87: {  	v1 =	vmul.f32 v2, v1;
	_ =	sdelay $0x1  }
0x88: {  	v0 =	vmul.f32 v1, v0;
	_ =	sdelay $0x1  }
0x89: {  	(xrf0) =	vmax.scan.msk.f32 $0xffff, v0;
	_ =	sdelay $0x5  }
0x8a: {  	v62, _, _ =	vpop (xrf0)  }
0x8b: {  	v1 =	vbroadcast v62, $0xF;
	_ =	sdelay $0x1  }
0x8c: {  	v0 =	vsub.f32 v0, v1;
	_ =	sdelay $0x1  }
0x8d: {  	v0 =	vmul.f32 $1.442695020e+00, v0;
	_ =	sdelay $0x1  }
0x8e: {  	(erf) = vpow2.f32 v0;
	_ =	sdelay $0x8  }
0x8f: {  	v0 =	vpop (erf)  }
0x90: {  	(xrf2) =	vadd.scan.msk.f32 $0xffff, v0;
	_ =	sdelay $0x9  }
0x91: {  	v63, _, _ =	vpop (xrf2)  }
0x92: {  	v1 =	vbroadcast v63, $0xF;
	_ =	sdelay $0x1  }
0x93: {  	(erf) = vrcp.f32 v1;
	_ =	sdelay $0x8  }
0x94: {  	v1 =	vpop (erf)  }
0x95: {  	v0 =	vmul.f32 v1, v0;
	_ =	sdelay $0x1  }
0x96: {  	s4 =	simm.s32 $0x400;
	[tilespmem:$0x400] =	vst v0  }
0x97: {  	[hbm4b:s1+s3] =	stream.linear.scatter [tilespmem:s4], [sflag:$0x1], $0x80, $0x38;
	[tilespmem:$0x480] =	vst v63  }
0x98: {  	_ =	swait.ge [sflag:s31], $0x80  }
0x99: {  	[sflag:s31] =	ssyncset.done $0x0  }
0x9a: {  	[sflag:s31] =	ssyncadd.s32 $0xFFFFFF80  }
.LBB2_2:
0x9b: {  	_ =	sfence.sel $0x180000  }
0x9c: {  	[bflag:$0x0] =	sbarrier.arrive $0xFFFF  }
0x9d: {  	_ =	strace $0x90000047  }
0x9e: {  	s0 =	sadd.s32 @!p0 $0x100000, s0;
	[bflag:$0x2] =	sbarrier.arrive $0xFFFF  }
0x9f: {  	[sflag:s0] =	ssyncadd.tile.s32 @!p0 $0x1;
	_ =	shalt  }
.Lfunc_end2:
_tile_overlayer_lowered:
.L_overlay_start_2:
0xa0: {  	(tag) =	ssettag $0x2  }
0xa1: {  	s0 =	rddreg [dreg:$0x0];
	s2 =	stileid.u32  }
0xa2: {  	s1 =	rddreg [dreg:$0x1];
	p0 =	sne.s32 s2, $0x0  }
0xa3: {  	s3 =	rddreg [dreg:$0x2];
	[bflag:$0x3] =	sbarrier.arrive $0xFFFF;
	s2 =	simm.s32 @!p0 $0x1C01  }
0xa4: {  	[timem:s3], [sflag:s2] =	dma.local @!p0 [hbm:s0], s1  }
0xa5: {  	s0 =	simm.s32 @!p0 $0x1  }
0xa6: {  	_ =	swait.ge @!p0 [sflag:s0], s1  }
0xa7: {  	s1 =	ssub.s32 @!p0 $0x0, s1;
	[sflag:s0] =	ssyncset.done @!p0 $0x0  }
0xa8: {  	[sflag:s0] =	ssyncadd.s32 @!p0 s1  }
0xa9: {  	[bflag:$0x3] =	sbarrier.arrive $0xFFFF  }
0xaa: {  	_ =	shalt  }

</sc_bundles>
